<compile_context>
chip_gen: v7x
topology: tpu7x:2x2x1
jax: 0.10.2.dev20260603
libtpu: 0.0.44.dev20260713+nightly
codegen_flags: <defaults>
</compile_context>

<pallas_src>
import functools

import jax
import jax.numpy as jnp
from jax import lax
from jax.experimental import pallas as pl
from jax.experimental.pallas import tpu as pltpu
from jax.experimental.pallas import tpu_sc as plsc

_NC = 2
_NS = 16
_NW = _NC * _NS

_CH = 640
_GATHER = 128


def _adapter_pair_body(img_ref, w_ref, b_ref, out_ref):
    x = img_ref[0]
    w = w_ref[...]
    t_half = x.shape[1] // 2
    y = lax.dot_general(
        x, w,
        dimension_numbers=(((0,), (1,)), ((), ())),
        preferred_element_type=jnp.float32,
    ) + b_ref[...]
    out_ref[0] = jnp.concatenate([y[:t_half], y[t_half:]], axis=1)


def _adapter_pair(img, w, b, tile):
    B, C, P = img.shape
    return pl.pallas_call(
        _adapter_pair_body,
        grid=(B, P // tile),
        in_specs=[
            pl.BlockSpec((1, C, tile), lambda bb, t: (bb, 0, t)),
            pl.BlockSpec((C, C), lambda bb, t: (0, 0)),
            pl.BlockSpec((1, C), lambda bb, t: (0, 0)),
        ],
        out_specs=pl.BlockSpec((1, tile // 2, 2 * C), lambda bb, t: (bb, t, 0)),
        out_shape=jax.ShapeDtypeStruct((B, P // 2, 2 * C), jnp.float32),
    )(img, w, b.reshape(1, C))


def _sc_gather(table, idx):
    total = idx.shape[0]
    C = table.shape[1]
    assert total % _CH == 0
    nchunk = total // _CH
    iters = -(-nchunk // _NW)
    mesh = plsc.VectorSubcoreMesh(core_axis_name="c", subcore_axis_name="s")

    @functools.partial(
        pl.kernel,
        mesh=mesh,
        out_type=jax.ShapeDtypeStruct((total, C), jnp.float32),
        scratch_types=[
            pltpu.VMEM((_CH,), jnp.int32),
            pltpu.VMEM((_CH,), jnp.int32),
            pltpu.VMEM((_CH, C), jnp.float32),
            pltpu.VMEM((_CH, C), jnp.float32),
            pltpu.SemaphoreType.DMA,
            pltpu.SemaphoreType.DMA,
        ],
        compiler_params=pltpu.CompilerParams(
            use_tc_tiling_on_sc=False, needs_layout_passes=False),
    )
    def k(idx_hbm, table_hbm, out_hbm, idxv0, idxv1, rows0, rows1,
          sem_g, sem_o):
        wid = lax.axis_index("s") * _NC + lax.axis_index("c")

        def wait_one_out():
            pltpu.make_async_copy(
                rows0, out_hbm.at[pl.ds(0, _CH)], sem_o).wait()

        def do_chunk(i, c, idxv, rows):
            base = c * _CH
            pltpu.sync_copy(idx_hbm.at[pl.ds(base, _CH)], idxv)
            copies = [
                pltpu.async_copy(
                    table_hbm.at[idxv.at[pl.ds(kk * _GATHER, _GATHER)]],
                    rows.at[pl.ds(kk * _GATHER, _GATHER)],
                    sem_g,
                )
                for kk in range(_CH // _GATHER)
            ]

            @pl.when(i > 0)
            def _():
                wait_one_out()

            for cp in copies:
                cp.wait()
            pltpu.async_copy(rows, out_hbm.at[pl.ds(base, _CH)], sem_o)

        def chunk(i, carry):
            c = wid + i * _NW

            @pl.when(c < nchunk)
            def _():
                @pl.when(i % 2 == 0)
                def _():
                    do_chunk(i, c, idxv0, rows0)

                @pl.when(i % 2 == 1)
                def _():
                    do_chunk(i, c, idxv1, rows1)

            return carry

        lax.fori_loop(0, iters, chunk, 0)

        @pl.when(wid < nchunk)
        def _():
            wait_one_out()

    return k(idx, table)


def kernel(img_features, projection_matrix, voxel_coords, W_adapter, b_adapter):
    del projection_matrix
    B, C, H, W = img_features.shape
    N = voxel_coords.shape[1]
    P = H * W

    img = img_features.reshape(B, C, P)
    tile = 16384
    feats = _adapter_pair(img, W_adapter, b_adapter, tile=tile)
    table = feats.reshape(B * P, C)

    vc = voxel_coords.astype(jnp.int32)
    half_shift = tile.bit_length() - 2
    half_mask = (tile // 2) - 1
    block_mask = ~(tile - 1)
    p = (jnp.clip(vc[:, :, 1], 0, H - 1) * W
         + jnp.clip(vc[:, :, 0], 0, W - 1))
    row = ((p & block_mask) | ((p & half_mask) << 1) | ((p >> half_shift) & 1))
    idx = (row + jnp.arange(B, dtype=jnp.int32)[:, None] * P).reshape(B * N)

    out = _sc_gather(table, idx)
    return out.reshape(B, N, C)

# --- scband reference (transcript-rebuilt; emitter-appended) ---
"""Pipeline reference for scband-feature-alignment-13958643712611 (READ-ONLY COPY).

The authoritative reference and input builder live on the scoring server;
editing this copy changes nothing except your own understanding.
"""

import jax, jax.numpy as jnp
import numpy as np

B, C, H, W = 2, 64, 384, 384
N_VOXEL = 200000

def setup_inputs(seed: int = 0) -> dict:
    key = jax.random.key(seed)
    k1, k2, k3, k4, k5 = jax.random.split(key, 5)
    img_features = jax.random.normal(k1, (B, C, H, W), dtype=jnp.float32)
    projection_matrix = jax.random.normal(k2, (B, 3, 4), dtype=jnp.float32)
    voxel_coords = jax.random.randint(k3, (B, N_VOXEL, 3), 0, 384)
    W_adapter = jax.random.normal(k4, (C, C), dtype=jnp.float32) * (1.0 / np.sqrt(C))
    b_adapter = jax.random.normal(k5, (C,), dtype=jnp.float32) * 0.01
    return {
        'img_features': img_features,
        'projection_matrix': projection_matrix,
        'voxel_coords': voxel_coords,
        'W_adapter': W_adapter,
        'b_adapter': b_adapter,
    }

def reference(img_features, projection_matrix, voxel_coords, W_adapter, b_adapter):
    # 1x1 conv feature adapter: channel mixing + bias
    Bb, Cc, Hh, Ww = img_features.shape
    feats = jnp.einsum('oi,bihw->bohw', W_adapter, img_features) + b_adapter[None, :, None, None]
    # nearest-neighbor alignment: clamp voxel (x, y) coords, gather pixels
    x_coords = jnp.clip(voxel_coords[:, :, 0], 0, Ww - 1)
    y_coords = jnp.clip(voxel_coords[:, :, 1], 0, Hh - 1)
    batch_indices = jnp.arange(Bb)[:, None]  # broadcasts to [B, N_voxel]
    # advanced indices (batch, y, x) are non-contiguous around the ':' slice,
    # so the channel dim moves last -> result [B, N_voxel, C] (matches torch)
    aligned = feats[batch_indices, :, y_coords, x_coords]
    return aligned

if __name__ == "__main__":
    import jax
    _d = setup_inputs()
    print(jax.jit(kernel)(*tuple(_d.values())))

</pallas_src>

<mosaic_0001>
#map = affine_map<(d0, d1) -> (0)>
#map1 = affine_map<(d0, d1) -> (0, 0)>
module attributes {stable_mosaic.version = 14 : i64} {
  func.func @k(%arg0: i32, %arg1: i32, %arg2: memref<400000xi32, #tpu.memory_space<hbm>>, %arg3: memref<294912x64xf32, #tpu.memory_space<hbm>>, %arg4: memref<400000x64xf32, #tpu.memory_space<hbm>>, %arg5: memref<640xi32, #tpu.memory_space<vmem>>, %arg6: memref<640xi32, #tpu.memory_space<vmem>>, %arg7: memref<640x64xf32, #tpu.memory_space<vmem>>, %arg8: memref<640x64xf32, #tpu.memory_space<vmem>>, %arg9: memref<!tpu.dma_semaphore, #tpu.memory_space<semaphore_mem>>, %arg10: memref<!tpu.dma_semaphore, #tpu.memory_space<semaphore_mem>>) attributes {dimension_semantics = [#tpu.dimension_semantics<core_parallel>, #tpu.dimension_semantics<subcore_parallel>], iteration_bounds = array<i64: 2, 16>, scalar_prefetch = 0 : i64, scratch_operands = 6 : i64, tpu.core_type = #tpu.core_type<sc_vector_subcore>, window_params = [{transform_indices = #map}, {transform_indices = #map1}, {transform_indices = #map1}]} {
    %mul3A = arith.constant 2 : i32
    %mul3A_0 = arith.muli %arg1, %mul3A : i32
    %add3A = arith.addi %mul3A_0, %arg0 : i32
    %scan3A = arith.constant 0 : i32
    %scan3A_1 = arith.constant 0 : i32
    %scan3A_2 = arith.constant 20 : i32
    %scan3A_3 = arith.addi %scan3A_1, %scan3A_2 : i32
    %scan3A_4 = arith.constant 1 : i32
    scf.for %scan3A_8 = %scan3A_1 to %scan3A_3 step %scan3A_4  : i32 {
      %mul3A_9 = arith.constant 32 : i32
      %mul3A_10 = arith.muli %scan3A_8, %mul3A_9 : i32
      %add3A_11 = arith.addi %add3A, %mul3A_10 : i32
      %lt3A_12 = arith.constant 625 : i32
      %lt3A_13 = arith.cmpi slt, %add3A_11, %lt3A_12 : i32
      %convert_element_type3A_14 = arith.extui %lt3A_13 : i1 to i32
      %cond3A_15 = arith.constant 0 : i32
      %cond3A_16 = arith.cmpi ne, %convert_element_type3A_14, %cond3A_15 : i32
      scf.if %cond3A_16 {
        %jit3A = arith.constant 2 : i32
        %eq3A = arith.constant 0 : i32
        %eq3A_17 = arith.cmpi eq, %jit3A, %eq3A : i32
        %jit3A_18 = arith.constant 1 : i32
        %select_n3A = arith.select %eq3A_17, %jit3A_18, %jit3A : i32
        %rem3A = arith.remsi %scan3A_8, %select_n3A : i32
        %ne3A = arith.constant 0 : i32
        %ne3A_19 = arith.cmpi ne, %rem3A, %ne3A : i32
        %lt3A_20 = arith.constant 0 : i32
        %lt3A_21 = arith.cmpi slt, %rem3A, %lt3A_20 : i32
        %lt3A_22 = arith.constant 0 : i32
        %lt3A_23 = arith.cmpi slt, %select_n3A, %lt3A_22 : i32
        %ne3A_24 = arith.xori %lt3A_21, %lt3A_23 : i1
        %and3A = arith.andi %ne3A_24, %ne3A_19 : i1
        %add3A_25 = arith.addi %rem3A, %select_n3A : i32
        %select_n3A_26 = arith.select %and3A, %add3A_25, %rem3A : i32
        %eq3A_27 = arith.constant 0 : i32
        %eq3A_28 = arith.cmpi eq, %select_n3A_26, %eq3A_27 : i32
        %convert_element_type3A_29 = arith.extui %eq3A_28 : i1 to i32
        %cond3A_30 = arith.constant 0 : i32
        %cond3A_31 = arith.cmpi ne, %convert_element_type3A_29, %cond3A_30 : i32
        scf.if %cond3A_31 {
          %mul3A_53 = arith.constant 640 : i32
          %mul3A_54 = arith.muli %add3A_11, %mul3A_53 : i32
          "tpu.region"() ({
            %run_scoped3A = tpu.sem_alloc : memref<!tpu.dma_semaphore, #tpu.memory_space<semaphore_mem>>
            %dma_start3A_141 = tpu.memref_slice %arg2[%mul3A_54] : memref<400000xi32, #tpu.memory_space<hbm>> -> memref<640xi32, #tpu.memory_space<hbm>>
            %dma_start3A_142 = tpu.memref_slice %arg2[%mul3A_54] : memref<400000xi32, #tpu.memory_space<hbm>> -> memref<640xi32, #tpu.memory_space<hbm>>
            tpu.enqueue_dma source(%dma_start3A_142 : memref<640xi32, #tpu.memory_space<hbm>>) target(%arg5 : memref<640xi32, #tpu.memory_space<vmem>>) target_semaphore(%run_scoped3A : memref<!tpu.dma_semaphore, #tpu.memory_space<semaphore_mem>>)
            %dma_wait3A_143 = tpu.memref_slice %arg2[%mul3A_54] : memref<400000xi32, #tpu.memory_space<hbm>> -> memref<640xi32, #tpu.memory_space<hbm>>
            %dma_wait3A_144 = tpu.memref_slice %arg2[%mul3A_54] : memref<400000xi32, #tpu.memory_space<hbm>> -> memref<640xi32, #tpu.memory_space<hbm>>
            tpu.wait_dma2 semaphore(%run_scoped3A : memref<!tpu.dma_semaphore, #tpu.memory_space<semaphore_mem>>) src(%dma_wait3A_144 : memref<640xi32, #tpu.memory_space<hbm>>) dst(%arg5 : memref<640xi32, #tpu.memory_space<vmem>>)
            tpu.yield
          }) : () -> ()
          %dma_start3A = arith.constant 0 : i32
          %dma_start3A_55 = arith.constant 0 : i32
          %dma_start3A_56 = tpu.memref_slice %arg7[%dma_start3A, %dma_start3A_55] : memref<640x64xf32, #tpu.memory_space<vmem>> -> memref<128x64xf32, #tpu.memory_space<vmem>>
          %dma_start3A_57 = arith.constant 0 : i32
          %dma_start3A_58 = tpu.memref_slice %arg5[%dma_start3A_57] : memref<640xi32, #tpu.memory_space<vmem>> -> memref<128xi32, #tpu.memory_space<vmem>>
          %dma_start3A_59 = arith.constant 0 : i32
          %dma_start3A_60 = arith.constant 0 : i32
          %dma_start3A_61 = tpu.memref_slice %arg3[%dma_start3A_59, %dma_start3A_60] : memref<294912x64xf32, #tpu.memory_space<hbm>> -> memref<294912x64xf32, #tpu.memory_space<hbm>>
          tpu.enqueue_indirect_dma source(%dma_start3A_61 : memref<294912x64xf32, #tpu.memory_space<hbm>>) target(%dma_start3A_56 : memref<128x64xf32, #tpu.memory_space<vmem>>) offsets(%dma_start3A_58 : memref<128xi32, #tpu.memory_space<vmem>>) semaphore(%arg9 : memref<!tpu.dma_semaphore, #tpu.memory_space<semaphore_mem>>)
          %dma_start3A_62 = arith.constant 128 : i32
          %dma_start3A_63 = arith.constant 0 : i32
          %dma_start3A_64 = tpu.memref_slice %arg7[%dma_start3A_62, %dma_start3A_63] : memref<640x64xf32, #tpu.memory_space<vmem>> -> memref<128x64xf32, #tpu.memory_space<vmem>>
          %dma_start3A_65 = arith.constant 128 : i32
          %dma_start3A_66 = tpu.memref_slice %arg5[%dma_start3A_65] : memref<640xi32, #tpu.memory_space<vmem>> -> memref<128xi32, #tpu.memory_space<vmem>>
          %dma_start3A_67 = arith.constant 0 : i32
          %dma_start3A_68 = arith.constant 0 : i32
          %dma_start3A_69 = tpu.memref_slice %arg3[%dma_start3A_67, %dma_start3A_68] : memref<294912x64xf32, #tpu.memory_space<hbm>> -> memref<294912x64xf32, #tpu.memory_space<hbm>>
          tpu.enqueue_indirect_dma source(%dma_start3A_69 : memref<294912x64xf32, #tpu.memory_space<hbm>>) target(%dma_start3A_64 : memref<128x64xf32, #tpu.memory_space<vmem>>) offsets(%dma_start3A_66 : memref<128xi32, #tpu.memory_space<vmem>>) semaphore(%arg9 : memref<!tpu.dma_semaphore, #tpu.memory_space<semaphore_mem>>)
          %dma_start3A_70 = arith.constant 256 : i32
          %dma_start3A_71 = arith.constant 0 : i32
          %dma_start3A_72 = tpu.memref_slice %arg7[%dma_start3A_70, %dma_start3A_71] : memref<640x64xf32, #tpu.memory_space<vmem>> -> memref<128x64xf32, #tpu.memory_space<vmem>>
          %dma_start3A_73 = arith.constant 256 : i32
          %dma_start3A_74 = tpu.memref_slice %arg5[%dma_start3A_73] : memref<640xi32, #tpu.memory_space<vmem>> -> memref<128xi32, #tpu.memory_space<vmem>>
          %dma_start3A_75 = arith.constant 0 : i32
          %dma_start3A_76 = arith.constant 0 : i32
          %dma_start3A_77 = tpu.memref_slice %arg3[%dma_start3A_75, %dma_start3A_76] : memref<294912x64xf32, #tpu.memory_space<hbm>> -> memref<294912x64xf32, #tpu.memory_space<hbm>>
          tpu.enqueue_indirect_dma source(%dma_start3A_77 : memref<294912x64xf32, #tpu.memory_space<hbm>>) target(%dma_start3A_72 : memref<128x64xf32, #tpu.memory_space<vmem>>) offsets(%dma_start3A_74 : memref<128xi32, #tpu.memory_space<vmem>>) semaphore(%arg9 : memref<!tpu.dma_semaphore, #tpu.memory_space<semaphore_mem>>)
          %dma_start3A_78 = arith.constant 384 : i32
          %dma_start3A_79 = arith.constant 0 : i32
          %dma_start3A_80 = tpu.memref_slice %arg7[%dma_start3A_78, %dma_start3A_79] : memref<640x64xf32, #tpu.memory_space<vmem>> -> memref<128x64xf32, #tpu.memory_space<vmem>>
          %dma_start3A_81 = arith.constant 384 : i32
          %dma_start3A_82 = tpu.memref_slice %arg5[%dma_start3A_81] : memref<640xi32, #tpu.memory_space<vmem>> -> memref<128xi32, #tpu.memory_space<vmem>>
          %dma_start3A_83 = arith.constant 0 : i32
          %dma_start3A_84 = arith.constant 0 : i32
          %dma_start3A_85 = tpu.memref_slice %arg3[%dma_start3A_83, %dma_start3A_84] : memref<294912x64xf32, #tpu.memory_space<hbm>> -> memref<294912x64xf32, #tpu.memory_space<hbm>>
          tpu.enqueue_indirect_dma source(%dma_start3A_85 : memref<294912x64xf32, #tpu.memory_space<hbm>>) target(%dma_start3A_80 : memref<128x64xf32, #tpu.memory_space<vmem>>) offsets(%dma_start3A_82 : memref<128xi32, #tpu.memory_space<vmem>>) semaphore(%arg9 : memref<!tpu.dma_semaphore, #tpu.memory_space<semaphore_mem>>)
          %dma_start3A_86 = arith.constant 512 : i32
          %dma_start3A_87 = arith.constant 0 : i32
          %dma_start3A_88 = tpu.memref_slice %arg7[%dma_start3A_86, %dma_start3A_87] : memref<640x64xf32, #tpu.memory_space<vmem>> -> memref<128x64xf32, #tpu.memory_space<vmem>>
          %dma_start3A_89 = arith.constant 512 : i32
          %dma_start3A_90 = tpu.memref_slice %arg5[%dma_start3A_89] : memref<640xi32, #tpu.memory_space<vmem>> -> memref<128xi32, #tpu.memory_space<vmem>>
          %dma_start3A_91 = arith.constant 0 : i32
          %dma_start3A_92 = arith.constant 0 : i32
          %dma_start3A_93 = tpu.memref_slice %arg3[%dma_start3A_91, %dma_start3A_92] : memref<294912x64xf32, #tpu.memory_space<hbm>> -> memref<294912x64xf32, #tpu.memory_space<hbm>>
          tpu.enqueue_indirect_dma source(%dma_start3A_93 : memref<294912x64xf32, #tpu.memory_space<hbm>>) target(%dma_start3A_88 : memref<128x64xf32, #tpu.memory_space<vmem>>) offsets(%dma_start3A_90 : memref<128xi32, #tpu.memory_space<vmem>>) semaphore(%arg9 : memref<!tpu.dma_semaphore, #tpu.memory_space<semaphore_mem>>)
          %gt3A = arith.constant 0 : i32
          %gt3A_94 = arith.cmpi sgt, %scan3A_8, %gt3A : i32
          %convert_element_type3A_95 = arith.extui %gt3A_94 : i1 to i32
          %cond3A_96 = arith.constant 0 : i32
          %cond3A_97 = arith.cmpi ne, %convert_element_type3A_95, %cond3A_96 : i32
          scf.if %cond3A_97 {
            %dma_wait3A_141 = arith.constant 0 : i32
            %dma_wait3A_142 = arith.constant 0 : i32
            %dma_wait3A_143 = tpu.memref_slice %arg4[%dma_wait3A_141, %dma_wait3A_142] : memref<400000x64xf32, #tpu.memory_space<hbm>> -> memref<640x64xf32, #tpu.memory_space<hbm>>
            %dma_wait3A_144 = arith.constant 0 : i32
            %dma_wait3A_145 = arith.constant 0 : i32
            %dma_wait3A_146 = tpu.memref_slice %arg4[%dma_wait3A_144, %dma_wait3A_145] : memref<400000x64xf32, #tpu.memory_space<hbm>> -> memref<640x64xf32, #tpu.memory_space<hbm>>
            tpu.wait_dma2 semaphore(%arg10 : memref<!tpu.dma_semaphore, #tpu.memory_space<semaphore_mem>>) src(%arg7 : memref<640x64xf32, #tpu.memory_space<vmem>>) dst(%dma_wait3A_146 : memref<640x64xf32, #tpu.memory_space<hbm>>)
          } else {
          }
          %dma_wait3A = arith.constant 0 : i32
          %dma_wait3A_98 = arith.constant 0 : i32
          %dma_wait3A_99 = tpu.memref_slice %arg7[%dma_wait3A, %dma_wait3A_98] : memref<640x64xf32, #tpu.memory_space<vmem>> -> memref<128x64xf32, #tpu.memory_space<vmem>>
          %dma_wait3A_100 = arith.constant 0 : i32
          %dma_wait3A_101 = tpu.memref_slice %arg5[%dma_wait3A_100] : memref<640xi32, #tpu.memory_space<vmem>> -> memref<128xi32, #tpu.memory_space<vmem>>
          %dma_wait3A_102 = arith.constant 0 : i32
          %dma_wait3A_103 = arith.constant 0 : i32
          %dma_wait3A_104 = tpu.memref_slice %arg3[%dma_wait3A_102, %dma_wait3A_103] : memref<294912x64xf32, #tpu.memory_space<hbm>> -> memref<294912x64xf32, #tpu.memory_space<hbm>>
          tpu.wait_indirect_dma semaphore(%arg9 : memref<!tpu.dma_semaphore, #tpu.memory_space<semaphore_mem>>) src(%dma_wait3A_104 : memref<294912x64xf32, #tpu.memory_space<hbm>>) dst(%dma_wait3A_99 : memref<128x64xf32, #tpu.memory_space<vmem>>)
          %dma_wait3A_105 = arith.constant 128 : i32
          %dma_wait3A_106 = arith.constant 0 : i32
          %dma_wait3A_107 = tpu.memref_slice %arg7[%dma_wait3A_105, %dma_wait3A_106] : memref<640x64xf32, #tpu.memory_space<vmem>> -> memref<128x64xf32, #tpu.memory_space<vmem>>
          %dma_wait3A_108 = arith.constant 128 : i32
          %dma_wait3A_109 = tpu.memref_slice %arg5[%dma_wait3A_108] : memref<640xi32, #tpu.memory_space<vmem>> -> memref<128xi32, #tpu.memory_space<vmem>>
          %dma_wait3A_110 = arith.constant 0 : i32
          %dma_wait3A_111 = arith.constant 0 : i32
          %dma_wait3A_112 = tpu.memref_slice %arg3[%dma_wait3A_110, %dma_wait3A_111] : memref<294912x64xf32, #tpu.memory_space<hbm>> -> memref<294912x64xf32, #tpu.memory_space<hbm>>
          tpu.wait_indirect_dma semaphore(%arg9 : memref<!tpu.dma_semaphore, #tpu.memory_space<semaphore_mem>>) src(%dma_wait3A_112 : memref<294912x64xf32, #tpu.memory_space<hbm>>) dst(%dma_wait3A_107 : memref<128x64xf32, #tpu.memory_space<vmem>>)
          %dma_wait3A_113 = arith.constant 256 : i32
          %dma_wait3A_114 = arith.constant 0 : i32
          %dma_wait3A_115 = tpu.memref_slice %arg7[%dma_wait3A_113, %dma_wait3A_114] : memref<640x64xf32, #tpu.memory_space<vmem>> -> memref<128x64xf32, #tpu.memory_space<vmem>>
          %dma_wait3A_116 = arith.constant 256 : i32
          %dma_wait3A_117 = tpu.memref_slice %arg5[%dma_wait3A_116] : memref<640xi32, #tpu.memory_space<vmem>> -> memref<128xi32, #tpu.memory_space<vmem>>
          %dma_wait3A_118 = arith.constant 0 : i32
          %dma_wait3A_119 = arith.constant 0 : i32
          %dma_wait3A_120 = tpu.memref_slice %arg3[%dma_wait3A_118, %dma_wait3A_119] : memref<294912x64xf32, #tpu.memory_space<hbm>> -> memref<294912x64xf32, #tpu.memory_space<hbm>>
          tpu.wait_indirect_dma semaphore(%arg9 : memref<!tpu.dma_semaphore, #tpu.memory_space<semaphore_mem>>) src(%dma_wait3A_120 : memref<294912x64xf32, #tpu.memory_space<hbm>>) dst(%dma_wait3A_115 : memref<128x64xf32, #tpu.memory_space<vmem>>)
          %dma_wait3A_121 = arith.constant 384 : i32
          %dma_wait3A_122 = arith.constant 0 : i32
          %dma_wait3A_123 = tpu.memref_slice %arg7[%dma_wait3A_121, %dma_wait3A_122] : memref<640x64xf32, #tpu.memory_space<vmem>> -> memref<128x64xf32, #tpu.memory_space<vmem>>
          %dma_wait3A_124 = arith.constant 384 : i32
          %dma_wait3A_125 = tpu.memref_slice %arg5[%dma_wait3A_124] : memref<640xi32, #tpu.memory_space<vmem>> -> memref<128xi32, #tpu.memory_space<vmem>>
          %dma_wait3A_126 = arith.constant 0 : i32
          %dma_wait3A_127 = arith.constant 0 : i32
          %dma_wait3A_128 = tpu.memref_slice %arg3[%dma_wait3A_126, %dma_wait3A_127] : memref<294912x64xf32, #tpu.memory_space<hbm>> -> memref<294912x64xf32, #tpu.memory_space<hbm>>
          tpu.wait_indirect_dma semaphore(%arg9 : memref<!tpu.dma_semaphore, #tpu.memory_space<semaphore_mem>>) src(%dma_wait3A_128 : memref<294912x64xf32, #tpu.memory_space<hbm>>) dst(%dma_wait3A_123 : memref<128x64xf32, #tpu.memory_space<vmem>>)
          %dma_wait3A_129 = arith.constant 512 : i32
          %dma_wait3A_130 = arith.constant 0 : i32
          %dma_wait3A_131 = tpu.memref_slice %arg7[%dma_wait3A_129, %dma_wait3A_130] : memref<640x64xf32, #tpu.memory_space<vmem>> -> memref<128x64xf32, #tpu.memory_space<vmem>>
          %dma_wait3A_132 = arith.constant 512 : i32
          %dma_wait3A_133 = tpu.memref_slice %arg5[%dma_wait3A_132] : memref<640xi32, #tpu.memory_space<vmem>> -> memref<128xi32, #tpu.memory_space<vmem>>
          %dma_wait3A_134 = arith.constant 0 : i32
          %dma_wait3A_135 = arith.constant 0 : i32
          %dma_wait3A_136 = tpu.memref_slice %arg3[%dma_wait3A_134, %dma_wait3A_135] : memref<294912x64xf32, #tpu.memory_space<hbm>> -> memref<294912x64xf32, #tpu.memory_space<hbm>>
          tpu.wait_indirect_dma semaphore(%arg9 : memref<!tpu.dma_semaphore, #tpu.memory_space<semaphore_mem>>) src(%dma_wait3A_136 : memref<294912x64xf32, #tpu.memory_space<hbm>>) dst(%dma_wait3A_131 : memref<128x64xf32, #tpu.memory_space<vmem>>)
          %dma_start3A_137 = arith.constant 0 : i32
          %dma_start3A_138 = tpu.memref_slice %arg4[%mul3A_54, %dma_start3A_137] : memref<400000x64xf32, #tpu.memory_space<hbm>> -> memref<640x64xf32, #tpu.memory_space<hbm>>
          %dma_start3A_139 = arith.constant 0 : i32
          %dma_start3A_140 = tpu.memref_slice %arg4[%mul3A_54, %dma_start3A_139] : memref<400000x64xf32, #tpu.memory_space<hbm>> -> memref<640x64xf32, #tpu.memory_space<hbm>>
          tpu.enqueue_dma source(%arg7 : memref<640x64xf32, #tpu.memory_space<vmem>>) target(%dma_start3A_140 : memref<640x64xf32, #tpu.memory_space<hbm>>) target_semaphore(%arg10 : memref<!tpu.dma_semaphore, #tpu.memory_space<semaphore_mem>>)
        } else {
        }
        %jit3A_32 = arith.constant 2 : i32
        %eq3A_33 = arith.constant 0 : i32
        %eq3A_34 = arith.cmpi eq, %jit3A_32, %eq3A_33 : i32
        %jit3A_35 = arith.constant 1 : i32
        %select_n3A_36 = arith.select %eq3A_34, %jit3A_35, %jit3A_32 : i32
        %rem3A_37 = arith.remsi %scan3A_8, %select_n3A_36 : i32
        %ne3A_38 = arith.constant 0 : i32
        %ne3A_39 = arith.cmpi ne, %rem3A_37, %ne3A_38 : i32
        %lt3A_40 = arith.constant 0 : i32
        %lt3A_41 = arith.cmpi slt, %rem3A_37, %lt3A_40 : i32
        %lt3A_42 = arith.constant 0 : i32
        %lt3A_43 = arith.cmpi slt, %select_n3A_36, %lt3A_42 : i32
        %ne3A_44 = arith.xori %lt3A_41, %lt3A_43 : i1
        %and3A_45 = arith.andi %ne3A_44, %ne3A_39 : i1
        %add3A_46 = arith.addi %rem3A_37, %select_n3A_36 : i32
        %select_n3A_47 = arith.select %and3A_45, %add3A_46, %rem3A_37 : i32
        %eq3A_48 = arith.constant 1 : i32
        %eq3A_49 = arith.cmpi eq, %select_n3A_47, %eq3A_48 : i32
        %convert_element_type3A_50 = arith.extui %eq3A_49 : i1 to i32
        %cond3A_51 = arith.constant 0 : i32
        %cond3A_52 = arith.cmpi ne, %convert_element_type3A_50, %cond3A_51 : i32
        scf.if %cond3A_52 {
          %mul3A_53 = arith.constant 640 : i32
          %mul3A_54 = arith.muli %add3A_11, %mul3A_53 : i32
          "tpu.region"() ({
            %run_scoped3A = tpu.sem_alloc : memref<!tpu.dma_semaphore, #tpu.memory_space<semaphore_mem>>
            %dma_start3A_141 = tpu.memref_slice %arg2[%mul3A_54] : memref<400000xi32, #tpu.memory_space<hbm>> -> memref<640xi32, #tpu.memory_space<hbm>>
            %dma_start3A_142 = tpu.memref_slice %arg2[%mul3A_54] : memref<400000xi32, #tpu.memory_space<hbm>> -> memref<640xi32, #tpu.memory_space<hbm>>
            tpu.enqueue_dma source(%dma_start3A_142 : memref<640xi32, #tpu.memory_space<hbm>>) target(%arg6 : memref<640xi32, #tpu.memory_space<vmem>>) target_semaphore(%run_scoped3A : memref<!tpu.dma_semaphore, #tpu.memory_space<semaphore_mem>>)
            %dma_wait3A_143 = tpu.memref_slice %arg2[%mul3A_54] : memref<400000xi32, #tpu.memory_space<hbm>> -> memref<640xi32, #tpu.memory_space<hbm>>
            %dma_wait3A_144 = tpu.memref_slice %arg2[%mul3A_54] : memref<400000xi32, #tpu.memory_space<hbm>> -> memref<640xi32, #tpu.memory_space<hbm>>
            tpu.wait_dma2 semaphore(%run_scoped3A : memref<!tpu.dma_semaphore, #tpu.memory_space<semaphore_mem>>) src(%dma_wait3A_144 : memref<640xi32, #tpu.memory_space<hbm>>) dst(%arg6 : memref<640xi32, #tpu.memory_space<vmem>>)
            tpu.yield
          }) : () -> ()
          %dma_start3A = arith.constant 0 : i32
          %dma_start3A_55 = arith.constant 0 : i32
          %dma_start3A_56 = tpu.memref_slice %arg8[%dma_start3A, %dma_start3A_55] : memref<640x64xf32, #tpu.memory_space<vmem>> -> memref<128x64xf32, #tpu.memory_space<vmem>>
          %dma_start3A_57 = arith.constant 0 : i32
          %dma_start3A_58 = tpu.memref_slice %arg6[%dma_start3A_57] : memref<640xi32, #tpu.memory_space<vmem>> -> memref<128xi32, #tpu.memory_space<vmem>>
          %dma_start3A_59 = arith.constant 0 : i32
          %dma_start3A_60 = arith.constant 0 : i32
          %dma_start3A_61 = tpu.memref_slice %arg3[%dma_start3A_59, %dma_start3A_60] : memref<294912x64xf32, #tpu.memory_space<hbm>> -> memref<294912x64xf32, #tpu.memory_space<hbm>>
          tpu.enqueue_indirect_dma source(%dma_start3A_61 : memref<294912x64xf32, #tpu.memory_space<hbm>>) target(%dma_start3A_56 : memref<128x64xf32, #tpu.memory_space<vmem>>) offsets(%dma_start3A_58 : memref<128xi32, #tpu.memory_space<vmem>>) semaphore(%arg9 : memref<!tpu.dma_semaphore, #tpu.memory_space<semaphore_mem>>)
          %dma_start3A_62 = arith.constant 128 : i32
          %dma_start3A_63 = arith.constant 0 : i32
          %dma_start3A_64 = tpu.memref_slice %arg8[%dma_start3A_62, %dma_start3A_63] : memref<640x64xf32, #tpu.memory_space<vmem>> -> memref<128x64xf32, #tpu.memory_space<vmem>>
          %dma_start3A_65 = arith.constant 128 : i32
          %dma_start3A_66 = tpu.memref_slice %arg6[%dma_start3A_65] : memref<640xi32, #tpu.memory_space<vmem>> -> memref<128xi32, #tpu.memory_space<vmem>>
          %dma_start3A_67 = arith.constant 0 : i32
          %dma_start3A_68 = arith.constant 0 : i32
          %dma_start3A_69 = tpu.memref_slice %arg3[%dma_start3A_67, %dma_start3A_68] : memref<294912x64xf32, #tpu.memory_space<hbm>> -> memref<294912x64xf32, #tpu.memory_space<hbm>>
          tpu.enqueue_indirect_dma source(%dma_start3A_69 : memref<294912x64xf32, #tpu.memory_space<hbm>>) target(%dma_start3A_64 : memref<128x64xf32, #tpu.memory_space<vmem>>) offsets(%dma_start3A_66 : memref<128xi32, #tpu.memory_space<vmem>>) semaphore(%arg9 : memref<!tpu.dma_semaphore, #tpu.memory_space<semaphore_mem>>)
          %dma_start3A_70 = arith.constant 256 : i32
          %dma_start3A_71 = arith.constant 0 : i32
          %dma_start3A_72 = tpu.memref_slice %arg8[%dma_start3A_70, %dma_start3A_71] : memref<640x64xf32, #tpu.memory_space<vmem>> -> memref<128x64xf32, #tpu.memory_space<vmem>>
          %dma_start3A_73 = arith.constant 256 : i32
          %dma_start3A_74 = tpu.memref_slice %arg6[%dma_start3A_73] : memref<640xi32, #tpu.memory_space<vmem>> -> memref<128xi32, #tpu.memory_space<vmem>>
          %dma_start3A_75 = arith.constant 0 : i32
          %dma_start3A_76 = arith.constant 0 : i32
          %dma_start3A_77 = tpu.memref_slice %arg3[%dma_start3A_75, %dma_start3A_76] : memref<294912x64xf32, #tpu.memory_space<hbm>> -> memref<294912x64xf32, #tpu.memory_space<hbm>>
          tpu.enqueue_indirect_dma source(%dma_start3A_77 : memref<294912x64xf32, #tpu.memory_space<hbm>>) target(%dma_start3A_72 : memref<128x64xf32, #tpu.memory_space<vmem>>) offsets(%dma_start3A_74 : memref<128xi32, #tpu.memory_space<vmem>>) semaphore(%arg9 : memref<!tpu.dma_semaphore, #tpu.memory_space<semaphore_mem>>)
          %dma_start3A_78 = arith.constant 384 : i32
          %dma_start3A_79 = arith.constant 0 : i32
          %dma_start3A_80 = tpu.memref_slice %arg8[%dma_start3A_78, %dma_start3A_79] : memref<640x64xf32, #tpu.memory_space<vmem>> -> memref<128x64xf32, #tpu.memory_space<vmem>>
          %dma_start3A_81 = arith.constant 384 : i32
          %dma_start3A_82 = tpu.memref_slice %arg6[%dma_start3A_81] : memref<640xi32, #tpu.memory_space<vmem>> -> memref<128xi32, #tpu.memory_space<vmem>>
          %dma_start3A_83 = arith.constant 0 : i32
          %dma_start3A_84 = arith.constant 0 : i32
          %dma_start3A_85 = tpu.memref_slice %arg3[%dma_start3A_83, %dma_start3A_84] : memref<294912x64xf32, #tpu.memory_space<hbm>> -> memref<294912x64xf32, #tpu.memory_space<hbm>>
          tpu.enqueue_indirect_dma source(%dma_start3A_85 : memref<294912x64xf32, #tpu.memory_space<hbm>>) target(%dma_start3A_80 : memref<128x64xf32, #tpu.memory_space<vmem>>) offsets(%dma_start3A_82 : memref<128xi32, #tpu.memory_space<vmem>>) semaphore(%arg9 : memref<!tpu.dma_semaphore, #tpu.memory_space<semaphore_mem>>)
          %dma_start3A_86 = arith.constant 512 : i32
          %dma_start3A_87 = arith.constant 0 : i32
          %dma_start3A_88 = tpu.memref_slice %arg8[%dma_start3A_86, %dma_start3A_87] : memref<640x64xf32, #tpu.memory_space<vmem>> -> memref<128x64xf32, #tpu.memory_space<vmem>>
          %dma_start3A_89 = arith.constant 512 : i32
          %dma_start3A_90 = tpu.memref_slice %arg6[%dma_start3A_89] : memref<640xi32, #tpu.memory_space<vmem>> -> memref<128xi32, #tpu.memory_space<vmem>>
          %dma_start3A_91 = arith.constant 0 : i32
          %dma_start3A_92 = arith.constant 0 : i32
          %dma_start3A_93 = tpu.memref_slice %arg3[%dma_start3A_91, %dma_start3A_92] : memref<294912x64xf32, #tpu.memory_space<hbm>> -> memref<294912x64xf32, #tpu.memory_space<hbm>>
          tpu.enqueue_indirect_dma source(%dma_start3A_93 : memref<294912x64xf32, #tpu.memory_space<hbm>>) target(%dma_start3A_88 : memref<128x64xf32, #tpu.memory_space<vmem>>) offsets(%dma_start3A_90 : memref<128xi32, #tpu.memory_space<vmem>>) semaphore(%arg9 : memref<!tpu.dma_semaphore, #tpu.memory_space<semaphore_mem>>)
          %gt3A = arith.constant 0 : i32
          %gt3A_94 = arith.cmpi sgt, %scan3A_8, %gt3A : i32
          %convert_element_type3A_95 = arith.extui %gt3A_94 : i1 to i32
          %cond3A_96 = arith.constant 0 : i32
          %cond3A_97 = arith.cmpi ne, %convert_element_type3A_95, %cond3A_96 : i32
          scf.if %cond3A_97 {
            %dma_wait3A_141 = arith.constant 0 : i32
            %dma_wait3A_142 = arith.constant 0 : i32
            %dma_wait3A_143 = tpu.memref_slice %arg4[%dma_wait3A_141, %dma_wait3A_142] : memref<400000x64xf32, #tpu.memory_space<hbm>> -> memref<640x64xf32, #tpu.memory_space<hbm>>
            %dma_wait3A_144 = arith.constant 0 : i32
            %dma_wait3A_145 = arith.constant 0 : i32
            %dma_wait3A_146 = tpu.memref_slice %arg4[%dma_wait3A_144, %dma_wait3A_145] : memref<400000x64xf32, #tpu.memory_space<hbm>> -> memref<640x64xf32, #tpu.memory_space<hbm>>
            tpu.wait_dma2 semaphore(%arg10 : memref<!tpu.dma_semaphore, #tpu.memory_space<semaphore_mem>>) src(%arg7 : memref<640x64xf32, #tpu.memory_space<vmem>>) dst(%dma_wait3A_146 : memref<640x64xf32, #tpu.memory_space<hbm>>)
          } else {
          }
          %dma_wait3A = arith.constant 0 : i32
          %dma_wait3A_98 = arith.constant 0 : i32
          %dma_wait3A_99 = tpu.memref_slice %arg8[%dma_wait3A, %dma_wait3A_98] : memref<640x64xf32, #tpu.memory_space<vmem>> -> memref<128x64xf32, #tpu.memory_space<vmem>>
          %dma_wait3A_100 = arith.constant 0 : i32
          %dma_wait3A_101 = tpu.memref_slice %arg6[%dma_wait3A_100] : memref<640xi32, #tpu.memory_space<vmem>> -> memref<128xi32, #tpu.memory_space<vmem>>
          %dma_wait3A_102 = arith.constant 0 : i32
          %dma_wait3A_103 = arith.constant 0 : i32
          %dma_wait3A_104 = tpu.memref_slice %arg3[%dma_wait3A_102, %dma_wait3A_103] : memref<294912x64xf32, #tpu.memory_space<hbm>> -> memref<294912x64xf32, #tpu.memory_space<hbm>>
          tpu.wait_indirect_dma semaphore(%arg9 : memref<!tpu.dma_semaphore, #tpu.memory_space<semaphore_mem>>) src(%dma_wait3A_104 : memref<294912x64xf32, #tpu.memory_space<hbm>>) dst(%dma_wait3A_99 : memref<128x64xf32, #tpu.memory_space<vmem>>)
          %dma_wait3A_105 = arith.constant 128 : i32
          %dma_wait3A_106 = arith.constant 0 : i32
          %dma_wait3A_107 = tpu.memref_slice %arg8[%dma_wait3A_105, %dma_wait3A_106] : memref<640x64xf32, #tpu.memory_space<vmem>> -> memref<128x64xf32, #tpu.memory_space<vmem>>
          %dma_wait3A_108 = arith.constant 128 : i32
          %dma_wait3A_109 = tpu.memref_slice %arg6[%dma_wait3A_108] : memref<640xi32, #tpu.memory_space<vmem>> -> memref<128xi32, #tpu.memory_space<vmem>>
          %dma_wait3A_110 = arith.constant 0 : i32
          %dma_wait3A_111 = arith.constant 0 : i32
          %dma_wait3A_112 = tpu.memref_slice %arg3[%dma_wait3A_110, %dma_wait3A_111] : memref<294912x64xf32, #tpu.memory_space<hbm>> -> memref<294912x64xf32, #tpu.memory_space<hbm>>
          tpu.wait_indirect_dma semaphore(%arg9 : memref<!tpu.dma_semaphore, #tpu.memory_space<semaphore_mem>>) src(%dma_wait3A_112 : memref<294912x64xf32, #tpu.memory_space<hbm>>) dst(%dma_wait3A_107 : memref<128x64xf32, #tpu.memory_space<vmem>>)
          %dma_wait3A_113 = arith.constant 256 : i32
          %dma_wait3A_114 = arith.constant 0 : i32
          %dma_wait3A_115 = tpu.memref_slice %arg8[%dma_wait3A_113, %dma_wait3A_114] : memref<640x64xf32, #tpu.memory_space<vmem>> -> memref<128x64xf32, #tpu.memory_space<vmem>>
          %dma_wait3A_116 = arith.constant 256 : i32
          %dma_wait3A_117 = tpu.memref_slice %arg6[%dma_wait3A_116] : memref<640xi32, #tpu.memory_space<vmem>> -> memref<128xi32, #tpu.memory_space<vmem>>
          %dma_wait3A_118 = arith.constant 0 : i32
          %dma_wait3A_119 = arith.constant 0 : i32
          %dma_wait3A_120 = tpu.memref_slice %arg3[%dma_wait3A_118, %dma_wait3A_119] : memref<294912x64xf32, #tpu.memory_space<hbm>> -> memref<294912x64xf32, #tpu.memory_space<hbm>>
          tpu.wait_indirect_dma semaphore(%arg9 : memref<!tpu.dma_semaphore, #tpu.memory_space<semaphore_mem>>) src(%dma_wait3A_120 : memref<294912x64xf32, #tpu.memory_space<hbm>>) dst(%dma_wait3A_115 : memref<128x64xf32, #tpu.memory_space<vmem>>)
          %dma_wait3A_121 = arith.constant 384 : i32
          %dma_wait3A_122 = arith.constant 0 : i32
          %dma_wait3A_123 = tpu.memref_slice %arg8[%dma_wait3A_121, %dma_wait3A_122] : memref<640x64xf32, #tpu.memory_space<vmem>> -> memref<128x64xf32, #tpu.memory_space<vmem>>
          %dma_wait3A_124 = arith.constant 384 : i32
          %dma_wait3A_125 = tpu.memref_slice %arg6[%dma_wait3A_124] : memref<640xi32, #tpu.memory_space<vmem>> -> memref<128xi32, #tpu.memory_space<vmem>>
          %dma_wait3A_126 = arith.constant 0 : i32
          %dma_wait3A_127 = arith.constant 0 : i32
          %dma_wait3A_128 = tpu.memref_slice %arg3[%dma_wait3A_126, %dma_wait3A_127] : memref<294912x64xf32, #tpu.memory_space<hbm>> -> memref<294912x64xf32, #tpu.memory_space<hbm>>
          tpu.wait_indirect_dma semaphore(%arg9 : memref<!tpu.dma_semaphore, #tpu.memory_space<semaphore_mem>>) src(%dma_wait3A_128 : memref<294912x64xf32, #tpu.memory_space<hbm>>) dst(%dma_wait3A_123 : memref<128x64xf32, #tpu.memory_space<vmem>>)
          %dma_wait3A_129 = arith.constant 512 : i32
          %dma_wait3A_130 = arith.constant 0 : i32
          %dma_wait3A_131 = tpu.memref_slice %arg8[%dma_wait3A_129, %dma_wait3A_130] : memref<640x64xf32, #tpu.memory_space<vmem>> -> memref<128x64xf32, #tpu.memory_space<vmem>>
          %dma_wait3A_132 = arith.constant 512 : i32
          %dma_wait3A_133 = tpu.memref_slice %arg6[%dma_wait3A_132] : memref<640xi32, #tpu.memory_space<vmem>> -> memref<128xi32, #tpu.memory_space<vmem>>
          %dma_wait3A_134 = arith.constant 0 : i32
          %dma_wait3A_135 = arith.constant 0 : i32
          %dma_wait3A_136 = tpu.memref_slice %arg3[%dma_wait3A_134, %dma_wait3A_135] : memref<294912x64xf32, #tpu.memory_space<hbm>> -> memref<294912x64xf32, #tpu.memory_space<hbm>>
          tpu.wait_indirect_dma semaphore(%arg9 : memref<!tpu.dma_semaphore, #tpu.memory_space<semaphore_mem>>) src(%dma_wait3A_136 : memref<294912x64xf32, #tpu.memory_space<hbm>>) dst(%dma_wait3A_131 : memref<128x64xf32, #tpu.memory_space<vmem>>)
          %dma_start3A_137 = arith.constant 0 : i32
          %dma_start3A_138 = tpu.memref_slice %arg4[%mul3A_54, %dma_start3A_137] : memref<400000x64xf32, #tpu.memory_space<hbm>> -> memref<640x64xf32, #tpu.memory_space<hbm>>
          %dma_start3A_139 = arith.constant 0 : i32
          %dma_start3A_140 = tpu.memref_slice %arg4[%mul3A_54, %dma_start3A_139] : memref<400000x64xf32, #tpu.memory_space<hbm>> -> memref<640x64xf32, #tpu.memory_space<hbm>>
          tpu.enqueue_dma source(%arg8 : memref<640x64xf32, #tpu.memory_space<vmem>>) target(%dma_start3A_140 : memref<640x64xf32, #tpu.memory_space<hbm>>) target_semaphore(%arg10 : memref<!tpu.dma_semaphore, #tpu.memory_space<semaphore_mem>>)
        } else {
        }
      } else {
      }
    }
    %scan3A_5 = arith.constant 20 : i32
    %lt3A = arith.constant 625 : i32
    %lt3A_6 = arith.cmpi slt, %add3A, %lt3A : i32
    %convert_element_type3A = arith.extui %lt3A_6 : i1 to i32
    %cond3A = arith.constant 0 : i32
    %cond3A_7 = arith.cmpi ne, %convert_element_type3A, %cond3A : i32
    scf.if %cond3A_7 {
      %dma_wait3A = arith.constant 0 : i32
      %dma_wait3A_8 = arith.constant 0 : i32
      %dma_wait3A_9 = tpu.memref_slice %arg4[%dma_wait3A, %dma_wait3A_8] : memref<400000x64xf32, #tpu.memory_space<hbm>> -> memref<640x64xf32, #tpu.memory_space<hbm>>
      %dma_wait3A_10 = arith.constant 0 : i32
      %dma_wait3A_11 = arith.constant 0 : i32
      %dma_wait3A_12 = tpu.memref_slice %arg4[%dma_wait3A_10, %dma_wait3A_11] : memref<400000x64xf32, #tpu.memory_space<hbm>> -> memref<640x64xf32, #tpu.memory_space<hbm>>
      tpu.wait_dma2 semaphore(%arg10 : memref<!tpu.dma_semaphore, #tpu.memory_space<semaphore_mem>>) src(%arg7 : memref<640x64xf32, #tpu.memory_space<vmem>>) dst(%dma_wait3A_12 : memref<640x64xf32, #tpu.memory_space<hbm>>)
    } else {
    }
    return
  }
}

module attributes {stable_mosaic.version = 14 : i64} {
  func.func @_adapter_pair_body(%arg0: i32, %arg1: i32, %arg2: memref<1x64x16384xf32, #tpu.memory_space<vmem>>, %arg3: memref<64x64xf32, #tpu.memory_space<vmem>>, %arg4: memref<1x64xf32, #tpu.memory_space<vmem>>, %arg5: memref<1x8192x128xf32, #tpu.memory_space<vmem>>) attributes {dimension_semantics = [#tpu.dimension_semantics<arbitrary>, #tpu.dimension_semantics<arbitrary>], iteration_bounds = array<i64: 2, 9>, scalar_prefetch = 0 : i64, scratch_operands = 0 : i64, tpu.core_type = #tpu.core_type<tc>, window_params = [{transform_indices = @transform_0, window_bounds = array<i64: 1, 64, 16384>}, {pipeline_mode = #tpu.pipeline_mode<synchronous>, transform_indices = @transform_1, window_bounds = array<i64: 64, 64>}, {pipeline_mode = #tpu.pipeline_mode<synchronous>, transform_indices = @transform_2, window_bounds = array<i64: 1, 64>}, {transform_indices = @transform_3, window_bounds = array<i64: 1, 8192, 128>}]} {
    %get3A = arith.constant 0 : index
    %get3A_0 = arith.constant 0 : index
    %get3A_1 = arith.constant 0 : index
    %get3A_2 = vector.load %arg2[%get3A, %get3A_0, %get3A_1] : memref<1x64x16384xf32, #tpu.memory_space<vmem>>, vector<1x64x16384xf32>
    %get3A_3 = vector.shape_cast %get3A_2 : vector<1x64x16384xf32> to vector<64x16384xf32>
    %get3A_4 = arith.constant 0 : index
    %get3A_5 = arith.constant 0 : index
    %get3A_6 = vector.load %arg3[%get3A_4, %get3A_5] : memref<64x64xf32, #tpu.memory_space<vmem>>, vector<64x64xf32>
    %dot_general3A = arith.constant dense<0.000000e+00> : vector<16384x64xf32>
    %dot_general3A_7 = tpu.matmul %get3A_3, %get3A_6, %dot_general3A {dimension_numbers = #tpu.dot_dimension_numbers<[0], [1], [1], [0], [0, 1, 1, 0], [], []>, transpose_lhs_hint = false} : vector<64x16384xf32>, vector<64x64xf32>, vector<16384x64xf32> -> vector<16384x64xf32>
    %get3A_8 = arith.constant 0 : index
    %get3A_9 = arith.constant 0 : index
    %get3A_10 = vector.load %arg4[%get3A_8, %get3A_9] : memref<1x64xf32, #tpu.memory_space<vmem>>, vector<1x64xf32>
    %add3A = vector.broadcast %get3A_10 : vector<1x64xf32> to vector<16384x64xf32>
    %add3A_11 = arith.addf %dot_general3A_7, %add3A : vector<16384x64xf32>
    %slice3A = vector.extract_strided_slice %add3A_11 {offsets = [0, 0], sizes = [8192, 64], strides = [1, 1]} : vector<16384x64xf32> to vector<8192x64xf32>
    %slice3A_12 = vector.extract_strided_slice %add3A_11 {offsets = [8192, 0], sizes = [8192, 64], strides = [1, 1]} : vector<16384x64xf32> to vector<8192x64xf32>
    %concatenate3A = tpu.concatenate %slice3A, %slice3A_12 in 1 : vector<8192x64xf32>, vector<8192x64xf32> -> vector<8192x128xf32>
    %swap3A = arith.constant 0 : index
    %swap3A_13 = arith.constant 0 : index
    %swap3A_14 = arith.constant 0 : index
    %swap3A_15 = vector.load %arg5[%swap3A, %swap3A_13, %swap3A_14] : memref<1x8192x128xf32, #tpu.memory_space<vmem>>, vector<1x8192x128xf32>
    %swap3A_16 = vector.shape_cast %swap3A_15 : vector<1x8192x128xf32> to vector<8192x128xf32>
    %swap3A_17 = vector.shape_cast %concatenate3A : vector<8192x128xf32> to vector<1x8192x128xf32>
    tpu.vector_store %arg5[%swap3A, %swap3A_13, %swap3A_14], %swap3A_17 {strides = array<i32>} : memref<1x8192x128xf32, #tpu.memory_space<vmem>>, vector<1x8192x128xf32>,
    return
  }
  func.func @transform_0(%arg0: i32, %arg1: i32) -> (i32, i32, i32) {
    %c0_i32 = arith.constant 0 : i32
    %c0_i32_0 = arith.constant 0 : i32
    return %arg0, %c0_i32, %arg1 : i32, i32, i32
  }
  func.func @transform_1(%arg0: i32, %arg1: i32) -> (i32, i32) {
    %c0_i32 = arith.constant 0 : i32
    %c0_i32_0 = arith.constant 0 : i32
    %c0_i32_1 = arith.constant 0 : i32
    return %c0_i32, %c0_i32_0 : i32, i32
  }
  func.func @transform_2(%arg0: i32, %arg1: i32) -> (i32, i32) {
    %c0_i32 = arith.constant 0 : i32
    %c0_i32_0 = arith.constant 0 : i32
    %c0_i32_1 = arith.constant 0 : i32
    return %c0_i32, %c0_i32_0 : i32, i32
  }
  func.func @transform_3(%arg0: i32, %arg1: i32) -> (i32, i32, i32) {
    %c0_i32 = arith.constant 0 : i32
    %c0_i32_0 = arith.constant 0 : i32
    return %arg0, %arg1, %c0_i32 : i32, i32, i32
  }
}

</mosaic_0001>

<sc_bundles>
// kernel: kernel.4.cloned.1.call-start
scs
__scs_entry_jumppad:
0x0: {  	(pc) =	sbr.rel $0x88, $3  }
0x1: {  	(tag) =	ssettag $0x0;
	lr =	simm.s32 $0x1  }
0x2: {  	[smem:$0x3F9D] =	sst lr;
	_ =	strace $0xD0000000  }
0x3: {  	_ = 	snop  }
0x4: {  	_ = 	snop  }
0x5: {  	_ = 	snop  }
0x6: {  	_ = 	snop  }
0x7: {  	_ = 	snop  }
__scs_overlays_trampoline_lowered:
0x8: {  	[smem:$0x3FAC] =	sst s0  }
0x9: {  	[smem:$0x3FAD] =	sst s1  }
0xa: {  	[smem:$0x3FAE] =	sst s2  }
0xb: {  	[smem:$0x3FAF] =	sst s3  }
0xc: {  	[smem:$0x3FB0] =	sst s4  }
0xd: {  	[smem:$0x3FB1] =	sst s5  }
0xe: {  	[smem:$0x3FB2] =	sst s6  }
0xf: {  	[smem:$0x3FB3] =	sst s7  }
0x10: {  	[smem:$0x3FB4] =	sst s8  }
0x11: {  	[smem:$0x3FB5] =	sst s9;
	s0 =	simm.s32 @!p0 $0x0  }
0x12: {  	s1 =	sld [smem:$0x3F9B];
	s0 =	simm.s32 @p0 $0x1  }
0x13: {  	[smem:$0x3FB6] =	sst s0;
	s0 =	simm.s32 @!p1 $0x0  }
0x14: {  	s2 =	sld [smem:$0x3F9A];
	s0 =	simm.s32 @p1 $0x1  }
0x15: {  	[smem:$0x3FB7] =	sst s0;
	s0 =	simm.s32 @!p2 $0x0  }
0x16: {  	s3 =	sld [smem:$0x3FDB];
	s0 =	simm.s32 @p2 $0x1  }
0x17: {  	s4 =	simm.s32 $0x1BF5;
	[smem:$0x3FB9] =	sst s0  }
0x18: {  	s0 =	sld [smem:$0x3F9C];
	_ =	swait.ge [sflag:s4], $0x0  }
0x19: {  	s7 =	sld [smem:$0x3F9D]  }
0x1a: {  	s8 =	sadd.s32 $0xFFFFE003, lr  }
0x1b: {  	s9 =	sadd.s32 $0xFFFFFEF7, lr;
	s5 =	simm.s32 $0xFFFFFFFF;
	p2 =	slt.u32 s8, $0xFFFFF086  }
0x1c: {  	p1 =	slt.u32 s9, $0xF7A;
	s5 =	simm.s32 @!p2 $0x0  }
0x1d: {  	s5 =	simm.s32 @p1 $0x1;
	p0 =	seq.s32 s7, s2  }
0x1e: {  	s7 =	smul.u32 @!p0 $0xF7A, s2;
	p2 =	seq.s32 @!p0 s5, $0x0  }
0x1f: {  	s9 =	smul.u32 $0xF7A, s1;
	s8 =	simm.s32 @!p0 $0x1BF5;
	p2 =	por !p2, p0  }
0x20: {  	[sflag:s8] =	ssyncset.s32 @!p0 $0xFFFFF086;
	s6 =	sadd.s32 @!p0 s3, s7;
	s7 =	simm.s32 @!p0 $0x108  }
0x21: {  	s3 =	sadd.s32 s3, s9;
	s6 =	sadd.s32 @!p0 $0x88, s6;
	s7 =	simm.s32 @p2 $0x1082  }
0x22: {  	[simem:s7], [sflag:s8] =	dma.local @!p0 [hbm:s6], $0xF7A  }
0x23: {  	s9 =	sor.u32 $0xD0000000, s2;
	s6 =	simm.s32 $0x108;
	_ =	swait.ge @!p0 [sflag:s8], $0x0  }
0x24: {  	s3 =	sadd.s32 $0x88, s3;
	s6 =	simm.s32 @!p1 $0x1082;
	[sflag:s4] =	ssyncset.s32 $0xFFFFF086  }
0x25: {  	[simem:s6], [sflag:s4] =	dma.local [hbm:s3], $0xF7A  }
0x26: {  	[smem:$0x3F9D] =	sst s1;
	(tag) =	ssettag s2;
	_ =	strace s9  }
0x27: {  	s1 =	sld [smem:$0x3FAD]  }
0x28: {  	s2 =	sld [smem:$0x3FAE]  }
0x29: {  	s4 =	sld [smem:$0x3FB0]  }
0x2a: {  	p0 =	seq.s32 s5, $0x0;
	s5 =	sld [smem:$0x3FB1]  }
0x2b: {  	s6 =	sld [smem:$0x3FB2]  }
0x2c: {  	s7 =	sld [smem:$0x3FB3]  }
0x2d: {  	s3 =	simm.s32 $0x108;
	s8 =	sld [smem:$0x3FB4]  }
0x2e: {  	s3 =	simm.s32 @!p0 $0x1082;
	s9 =	sld [smem:$0x3FB5]  }
0x2f: {  	lr =	sadd.s32 s0, s3;
	s0 =	sld [smem:$0x3FAC]  }
0x30: {  	s3 =	sld [smem:$0x3FAF]  }
0x31: {  	[smem:$0x3FB8] =	sst s10  }
0x32: {  	s10 =	sld [smem:$0x3FB6];
	_ =	sdelay $0x3  }
0x33: {  	p0 =	seq.s32 s10, $0x1;
	s10 =	sld [smem:$0x3FB8];
	_ =	sdelay $0x3  }
0x34: {  	[smem:$0x3FB8] =	sst s10  }
0x35: {  	s10 =	sld [smem:$0x3FB7];
	_ =	sdelay $0x3  }
0x36: {  	p1 =	seq.s32 s10, $0x1;
	s10 =	sld [smem:$0x3FB8];
	_ =	sdelay $0x3  }
0x37: {  	[smem:$0x3FB8] =	sst s10  }
0x38: {  	s10 =	sld [smem:$0x3FB9]  }
0x39: {  	_ = 	snop;
	(pc) =	sbr.ind lr, $3  }
0x3a: {  	_ = 	snop  }
0x3b: {  	_ = 	snop  }
0x3c: {  	p2 =	seq.s32 s10, $0x1;
	s10 =	sld [smem:$0x3FB8]  }
0x3d: {  	_ =	shalt  }
0x3e: {  	_ =	shalt  }
0x3f: {  	_ =	shalt  }
0x40: {  	_ =	shalt  }
0x41: {  	_ =	shalt  }
0x42: {  	_ =	shalt  }
0x43: {  	_ =	shalt  }
0x44: {  	_ =	shalt  }
0x45: {  	_ =	shalt  }
0x46: {  	_ =	shalt  }
0x47: {  	_ =	shalt  }
0x48: {  	_ =	shalt  }
0x49: {  	_ =	shalt  }
0x4a: {  	_ =	shalt  }
0x4b: {  	_ =	shalt  }
0x4c: {  	_ =	shalt  }
0x4d: {  	_ =	shalt  }
0x4e: {  	_ =	shalt  }
0x4f: {  	_ =	shalt  }
0x50: {  	_ =	shalt  }
0x51: {  	_ =	shalt  }
0x52: {  	_ =	shalt  }
0x53: {  	_ =	shalt  }
0x54: {  	_ =	shalt  }
0x55: {  	_ =	shalt  }
0x56: {  	_ =	shalt  }
0x57: {  	_ =	shalt  }
0x58: {  	_ =	shalt  }
0x59: {  	_ =	shalt  }
0x5a: {  	_ =	shalt  }
0x5b: {  	_ =	shalt  }
0x5c: {  	_ =	shalt  }
0x5d: {  	_ =	shalt  }
0x5e: {  	_ =	shalt  }
0x5f: {  	_ =	shalt  }
0x60: {  	_ =	shalt  }
0x61: {  	_ =	shalt  }
0x62: {  	_ =	shalt  }
0x63: {  	_ =	shalt  }
0x64: {  	_ =	shalt  }
0x65: {  	_ =	shalt  }
0x66: {  	_ =	shalt  }
0x67: {  	_ =	shalt  }
0x68: {  	_ =	shalt  }
0x69: {  	_ =	shalt  }
0x6a: {  	_ =	shalt  }
0x6b: {  	_ =	shalt  }
0x6c: {  	_ =	shalt  }
0x6d: {  	_ =	shalt  }
0x6e: {  	_ =	shalt  }
0x6f: {  	_ =	shalt  }
0x70: {  	_ =	shalt  }
0x71: {  	_ =	shalt  }
0x72: {  	_ =	shalt  }
0x73: {  	_ =	shalt  }
0x74: {  	_ =	shalt  }
0x75: {  	_ =	shalt  }
0x76: {  	_ =	shalt  }
0x77: {  	_ =	shalt  }
0x78: {  	_ =	shalt  }
0x79: {  	_ =	shalt  }
0x7a: {  	_ =	shalt  }
0x7b: {  	_ =	shalt  }
0x7c: {  	_ =	shalt  }
0x7d: {  	_ =	shalt  }
0x7e: {  	_ =	shalt  }
0x7f: {  	_ =	shalt  }
0x80: {  	_ =	shalt  }
0x81: {  	_ =	shalt  }
0x82: {  	_ =	shalt  }
0x83: {  	_ =	shalt  }
0x84: {  	_ =	shalt  }
0x85: {  	_ =	shalt  }
0x86: {  	_ =	shalt  }
0x87: {  	_ =	shalt  }
.Lfunc_end0:
.L_simem_size_0:
called_computation.1_lowered:
.L_overlay_start_0:
0x88: {  	s2 =	sld [smem:$0x3FD9]  }
0x89: {  	s3 =	sld [smem:$0x3FFE];
	_ =	sdelay $0x1  }
0x8a: {  	s1 =	srdreg.scid  }
0x8b: {  	s0 =	sand.u32 $0x1, s1  }
0x8c: {  	s17 =	sshll.u32 s0, $0xA;
	s2 =	sadd.s32 s3, s2  }
0x8d: {  	s2 =	sadd.s32 s2, s17  }
0x8e: {  	[smem:$0x3FC4] =	sst s2  }
0x8f: {  	_ = 	snop  }
0x90: {  	s2 =	sld [smem:$0x3FD0];
	(tm) =	ssettm $0x1  }
0x91: {  	s18 =	sld [smem:$0x3FFB];
	_ =	sdelay $0x3  }
0x92: {  	_ =	strace s18  }
0x93: {  	s3 =	sld [smem:$0x3FFC];
	_ =	sdelay $0x3  }
0x94: {  	_ =	strace s3  }
0x95: {  	s3 =	sld [smem:$0x3FFD];
	_ =	sdelay $0x3  }
0x96: {  	_ =	strace s3  }
0x97: {  	_ =	strace $0x8FFFFFFF  }
0x98: {  	s19 =	sld [smem:$0x3FDB];
	_ =	sdelay $0x1  }
0x99: {  	s4 =	simm.s32 $_scs_section_size  }
0x9a: {  	s5 =	simm.s32 $_size__tile_overlayer_lowered;
	s6 =	simm.s32 $_tile_overlayer_lowered  }
0x9b: {  	s22 =	simm.s32 $0x1BFF;
	s21 =	sshll.u32 s6, $0x1;
	s3 =	sadd.s32 s4, s19  }
0x9c: {  	s7 =	simm.s32 $0x0;
	s20 =	sshll.u32 s5, $0x1;
	s5 =	sadd.s32 s21, s3  }
0x9d: {  	[timem:s7], [sflag:s22] =	dma.local [hbm:s5], s20  }
0x9e: {  	_ =	swait.ge [sflag:s22], s20  }
0x9f: {  	s4 =	ssub.s32 $0x0, s20;
	[sflag:s22] =	ssyncset.done $0x0  }
0xa0: {  	[sflag:s22] =	ssyncadd.s32 s4;
	_ =	sdelay $0x1  }
0xa1: {  	s23 =	simm.s32 $0x1B8B  }
0xa2: {  	_ =	swait.ge [sflag:s23], $0x1  }
0xa3: {  	[sflag:s23] =	ssyncset.done $0x0  }
0xa4: {  	s25 =	simm.s32 $0x1B8E;
	s24 =	sld [smem:$0x3FFE];
	[sflag:s23] =	ssyncadd.s32 $0xFFFFFFFF  }
0xa5: {  	s26 =	simm.s32 $execute0_lowered;
	[smem:$0x3FD2] =	sst s25  }
0xa6: {  	s5 =	sshll.u32 s26, $0x1;
	_ =	strace $0x80000046;
	[dreg:$0x1] =	wrdreg $0xFFFFFFFF  }
0xa7: {  	s28 =	simm.s32 $_size_execute0_lowered;
	s3 =	sadd.s32 s3, s5;
	[dreg:$0x0] =	wrdreg $0x0  }
0xa8: {  	s5 =	sshll.u32 s28, $0x1;
	[dreg:$0x2] =	wrdreg s3  }
0xa9: {  	[dreg:$0x3] =	wrdreg s5  }
0xaa: {  	[dreg:$0x4] =	wrdreg $0xC0  }
0xab: {  	_ =	task [dreg:s7], $0x5FFFF  }
0xac: {  	[dreg:$0x1] =	wrdreg $0xFFFFFFFF  }
0xad: {  	[dreg:$0x0] =	wrdreg $0x60  }
0xae: {  	[dreg:$0x2] =	wrdreg s24  }
0xaf: {  	[dreg:$0x3] =	wrdreg s2  }
0xb0: {  	[dreg:$0x4] =	wrdreg $0x9  }
0xb1: {  	_ =	task.clear_ibuf [dreg:s7], $0x5FFFF;
	_ =	strace $0x90000046  }
0xb2: {  	s29 =	simm.s32 $0x9;
	_ =	strace $0x80000048  }
0xb3: {  	_ =	swait.ge [sflag:s29], $0x1  }
0xb4: {  	[sflag:s29] =	ssyncadd.s32 $0xFFFFFFFF  }
0xb5: {  	_ =	strace $0x90000048  }
0xb6: {  	_ =	sfence  }
0xb7: {  	s30 =	sld [smem:$0x0];
	_ =	sdelay $0x2  }
0xb8: {  	s31 =	sshll.u32 s1, $0xD;
	s1 =	sshrl.u32 s1, $0x2  }
0xb9: {  	s3 =	sand.u32 $0x4000, s31;
	s1 =	sadd.s32 s1, s30  }
0xba: {  	s0 =	sor.u32 s3, s0;
	s1 =	sshll.u32 s1, $0x11  }
0xbb: {  	s0 =	sor.u32 s1, s0  }
0xbc: {  	s0 =	sadd.s32 $0x8F2B, s0  }
0xbd: {  	[sflag:s0] =	ssyncadd.remote.s32 $0x1  }
0xbe: {  	_ =	sfence.sel $0xFFFF  }
0xbf: {  	[dreg:$0x0] =	wrdreg $0xFFFFFFFF;
	(pc) =	sbr.abs _section_cstart, $3  }
0xc0: {  	[dreg:$0x1] =	wrdreg $0xFFFFFFFF  }
0xc1: {  	_ =	task.clear_ibuf [dreg:s7], $0x2FFFF;
	_ =	strace $0x9FFFFFFF  }
0xc2: {  	(tm) =	ssettm $0x7FFFFFFF  }
0xc3: {  	_ =	shalt  }
tec
execute0_lowered:
.L_overlay_start_1:
0x0: {  	(tag) =	ssettag $0x1  }
0x1: {  	s0 =	rddreg [dreg:$0x0]  }
0x2: {  	s11 =	rddreg [dreg:$0x1];
	s3 =	simm.s32 $0x0  }
0x3: {  	s1 =	srdreg.scid;
	s10 =	stileid.u32;
	s12 =	simm.s32 $0x280  }
0x4: {  	s13 =	simm.s32 $0x3;
	s14 =	simm.s32 $0x80;
	s15 =	simm.s32 $0xA500  }
0x5: {  	s16 =	simm.s32 $0x300;
	s17 =	simm.s32 $0xC500;
	s18 =	simm.s32 $0x380  }
0x6: {  	s19 =	simm.s32 $0xE500;
	s20 =	simm.s32 $0x400;
	s21 =	simm.s32 $0x10500  }
0x7: {  	s22 =	simm.s32 $0x480;
	s23 =	simm.s32 $0x12500;
	s24 =	simm.s32 $0x2  }
0x8: {  	[smem:$0x7FF] =	sst s3;
	s4 =	sand.u32 $0x1, s1;
	s25 =	smul.u32 $0xA0, s10  }
0x9: {  	s5 =	sadd.s32 $0xE00, s0;
	s9 =	smul.u32 $0x2800, s10;
	s6 =	sadd.s32 $0xD200, s0  }
0xa: {  	_ =	strace $0x80000047;
	s2 =	ssub.s32 $0x2, s4;
	s8 =	smul.u32 $0x50, s4  }
0xb: {  	s28 =	smul.u32 $0x1400, s4;
	s7 =	sshrl.u32 s2, $0x1;
	s1 =	sadd.s32 s25, s5  }
0xc: {  	s9 =	sadd.s32 s9, s11;
	s25 =	simm.s32 $0x1;
	s26 =	ssub.s32 s2, s7  }
.Ltmp0:
0xd: {  	s7 =	sshll.u32 s10, $0x1;
	s29 =	sadd.s32 s8, s1;
	(pc) =	sbr.rel .LBB2_1-.Ltmp0, $4  }
0xe: {  	s30 =	sadd.s32 s28, s9;
	s1 =	simm.s32 $0x200;
	[dreg:$0x4] =	wrdreg s29  }
0xf: {  	s8 =	simm.s32 $0x8500;
	s0 =	smax.u32 s26, $0x1;
	[dreg:$0x5] =	wrdreg s30  }
0x10: {  	s9 =	simm.s32 $0x0;
	s31 =	sor.u32 s4, s7;
	[dreg:$0x3] =	wrdreg s0  }
0x11: {  	s26 =	simm.s32 $0x500;
	[dreg:$0x6] =	wrdreg s31;
	s0 =	simm.s32 $0x6500  }
.LBB2_8:
0x12: {  	_ =	swait.ge [sflag:s24], $0xA000  }
0x13: {  	s9 =	sadd.s32 $0x1, s9;
	s2 =	rddreg [dreg:$0x3]  }
0x14: {  	p0 =	sne.s32 s9, s2  }
.Ltmp1:
0x15: {  	_ = 	snop;
	(pc) =	sbr.rel @!p0 .LBB2_9-.Ltmp1, $3  }
0x16: {  	_ =	sdelay $0x1  }
0x17: {  	[sflag:s24] =	ssyncset.done $0x0  }
0x18: {  	[sflag:s24] =	ssyncadd.s32 $0xFFFF6000  }
.LBB2_1:
.Ltmp2:
0x19: {  	(pc) =	sbr.rel .LBB2_2-.Ltmp2, $4  }
0x1a: {  	_ = 	snop  }
0x1b: {  	s11 =	rddreg [dreg:$0x6]  }
0x1c: {  	s10 =	rddreg [dreg:$0x5]  }
0x1d: {  	s2 =	rddreg [dreg:$0x4];
	s28 =	simm.s32 $0x0  }
.LBB2_4:
0x1e: {  	s29 =	sshll.u32 s28, $0x5  }
0x1f: {  	s29 =	sor.u32 s29, s7  }
0x20: {  	s29 =	sor.u32 s4, s29  }
0x21: {  	s30 =	smul.u32 $0x50, s29  }
0x22: {  	s29 =	smul.u32 $0x1400, s29  }
0x23: {  	s31 =	rddreg [dreg:$0x1]  }
0x24: {  	s30 =	sadd.s32 s5, s30;
	s29 =	sadd.s32 s31, s29  }
.LBB2_6:
0x25: {  	[tilespmem:s12], [sflag:$0x3] =	stream.linear.gather [hbm4b:s30+s3], $0x280, $0x38;
	[tilespmem:$0x14500] =	vst v63  }
0x26: {  	_ =	swait.ge [sflag:s13], $0x280  }
0x27: {  	[sflag:s13] =	ssyncset.done $0x0  }
0x28: {  	[sflag:s13] =	ssyncadd.s32 $0xFFFFFD80  }
0x29: {  	[tilespmem:s15], [sflag:$0x1] =	stream.indirect.gather [hbm4b:s6+s14], $0x40, s12, s14, $0xb8;
	[tilespmem:$0x14500] =	vst v63  }
0x2a: {  	_ = 	snop  }
0x2b: {  	[tilespmem:s17], [sflag:$0x1] =	stream.indirect.gather [hbm4b:s6+s14], $0x40, s16, s14, $0xb8;
	[tilespmem:$0x14500] =	vst v63  }
0x2c: {  	_ = 	snop  }
0x2d: {  	[tilespmem:s19], [sflag:$0x1] =	stream.indirect.gather [hbm4b:s6+s14], $0x40, s18, s14, $0xb8;
	[tilespmem:$0x14500] =	vst v63  }
0x2e: {  	_ = 	snop  }
0x2f: {  	[tilespmem:s21], [sflag:$0x1] =	stream.indirect.gather [hbm4b:s6+s14], $0x40, s20, s14, $0xb8;
	[tilespmem:$0x14500] =	vst v63  }
0x30: {  	_ = 	snop  }
0x31: {  	[tilespmem:s23], [sflag:$0x1] =	stream.indirect.gather [hbm4b:s6+s14], $0x40, s22, s14, $0xb8;
	[tilespmem:$0x14500] =	vst v63  }
0x32: {  	_ =	swait.ge [sflag:s24], $0xA000  }
0x33: {  	[sflag:s24] =	ssyncset.done $0x0  }
0x34: {  	[sflag:s24] =	ssyncadd.s32 $0xFFFF6000  }
0x35: {  	_ =	swait.ge [sflag:s25], $0x2000  }
0x36: {  	[sflag:s25] =	ssyncset.done $0x0  }
0x37: {  	[sflag:s25] =	ssyncadd.s32 $0xFFFFE000  }
0x38: {  	_ =	swait.ge [sflag:s25], $0x2000  }
0x39: {  	[sflag:s25] =	ssyncset.done $0x0  }
0x3a: {  	[sflag:s25] =	ssyncadd.s32 $0xFFFFE000  }
0x3b: {  	_ =	swait.ge [sflag:s25], $0x2000  }
0x3c: {  	[sflag:s25] =	ssyncset.done $0x0  }
0x3d: {  	[sflag:s25] =	ssyncadd.s32 $0xFFFFE000  }
0x3e: {  	_ =	swait.ge [sflag:s25], $0x2000  }
0x3f: {  	[sflag:s25] =	ssyncset.done $0x0  }
0x40: {  	[sflag:s25] =	ssyncadd.s32 $0xFFFFE000  }
0x41: {  	_ =	swait.ge [sflag:s25], $0x2000  }
0x42: {  	[sflag:s25] =	ssyncset.done $0x0  }
0x43: {  	[sflag:s25] =	ssyncadd.s32 $0xFFFFE000  }
0x44: {  	[hbm4b:s29+s3] =	stream.linear.scatter [tilespmem:s15], [sflag:$0x2], $0xA000, $0x38;
	[tilespmem:$0x14500] =	vst v63  }
.LBB2_7:
0x45: {  	s28 =	sadd.s32 $0x1, s28  }
0x46: {  	p0 =	sne.s32 s28, $0x14  }
.Ltmp3:
0x47: {  	_ = 	snop;
	(pc) =	sbr.rel @!p0 .LBB2_8-.Ltmp3, $2  }
0x48: {  	_ =	sdelay $0x2  }
0x49: {  	s2 =	sadd.s32 $0xA00, s2;
	s10 =	sadd.s32 $0x28000, s10;
	s11 =	sadd.s32 $0x20, s11  }
.LBB2_2:
0x4a: {  	p0 =	sgt.u32 s11, $0x270  }
.Ltmp4:
0x4b: {  	_ = 	snop;
	(pc) =	sbr.rel @p0 .LBB2_7-.Ltmp4, $1  }
0x4c: {  	_ =	sdelay $0x3  }
0x4d: {  	s29 =	sand.u32 $0x1, s28  }
0x4e: {  	p0 =	seq.s32 s29, $0x0  }
.Ltmp5:
0x4f: {  	_ = 	snop;
	(pc) =	sbr.rel @!p0 .LBB2_4-.Ltmp5, $1  }
0x50: {  	_ =	sdelay $0x3  }
0x51: {  	[tilespmem:s3], [sflag:$0x3] =	stream.linear.gather [hbm4b:s2+s3], $0x280, $0x38;
	[tilespmem:$0x14500] =	vst v63  }
0x52: {  	_ =	swait.ge [sflag:s13], $0x280  }
0x53: {  	[sflag:s13] =	ssyncset.done $0x0  }
0x54: {  	[sflag:s13] =	ssyncadd.s32 $0xFFFFFD80  }
0x55: {  	[tilespmem:s26], [sflag:$0x1] =	stream.indirect.gather [hbm4b:s6+s14], $0x40, s3, s14, $0xb8;
	[tilespmem:$0x14500] =	vst v63  }
0x56: {  	s29 =	simm.s32 $0x2500  }
0x57: {  	[tilespmem:s29], [sflag:$0x1] =	stream.indirect.gather [hbm4b:s6+s14], $0x40, s14, s14, $0xb8;
	[tilespmem:$0x14500] =	vst v63  }
0x58: {  	s30 =	simm.s32 $0x4500;
	s29 =	simm.s32 $0x100  }
0x59: {  	[tilespmem:s30], [sflag:$0x1] =	stream.indirect.gather [hbm4b:s6+s14], $0x40, s29, s14, $0xb8;
	[tilespmem:$0x14500] =	vst v63  }
0x5a: {  	p1 =	seq.s32 s28, $0x0;
	s29 =	simm.s32 $0x180  }
0x5b: {  	[tilespmem:s0], [sflag:$0x1] =	stream.indirect.gather [hbm4b:s6+s14], $0x40, s29, s14, $0xb8;
	[tilespmem:$0x14500] =	vst v63  }
0x5c: {  	s29 =	simm.s32 @!p1 $0x2  }
0x5d: {  	[tilespmem:s8], [sflag:$0x1] =	stream.indirect.gather [hbm4b:s6+s14], $0x40, s1, s14, $0xb8;
	[tilespmem:$0x14500] =	vst v63  }
0x5e: {  	_ =	swait.ge @!p1 [sflag:s29], $0xA000  }
0x5f: {  	[sflag:s29] =	ssyncset.done @!p1 $0x0  }
0x60: {  	[sflag:s29] =	ssyncadd.s32 @!p1 $0xFFFF6000  }
0x61: {  	_ =	swait.ge [sflag:s25], $0x2000  }
0x62: {  	[sflag:s25] =	ssyncset.done $0x0  }
0x63: {  	[sflag:s25] =	ssyncadd.s32 $0xFFFFE000  }
0x64: {  	_ =	swait.ge [sflag:s25], $0x2000  }
0x65: {  	[sflag:s25] =	ssyncset.done $0x0  }
0x66: {  	[sflag:s25] =	ssyncadd.s32 $0xFFFFE000  }
0x67: {  	_ =	swait.ge [sflag:s25], $0x2000  }
0x68: {  	[sflag:s25] =	ssyncset.done $0x0  }
0x69: {  	[sflag:s25] =	ssyncadd.s32 $0xFFFFE000  }
0x6a: {  	_ =	swait.ge [sflag:s25], $0x2000  }
0x6b: {  	[sflag:s25] =	ssyncset.done $0x0  }
.Ltmp6:
0x6c: {  	[sflag:s25] =	ssyncadd.s32 $0xFFFFE000;
	(pc) =	sbr.rel @p0 .LBB2_7-.Ltmp6, $4  }
.Ltmp7:
0x6d: {  	_ =	swait.ge [sflag:s25], $0x2000;
	(pc) =	sbr.rel @!p0 .LBB2_6-.Ltmp7, $4  }
0x6e: {  	[sflag:s25] =	ssyncset.done $0x0  }
0x6f: {  	s30 =	smov.u32 s2;
	s29 =	smov.u32 s10;
	[sflag:s25] =	ssyncadd.s32 $0xFFFFE000  }
0x70: {  	[hbm4b:s10+s3] =	stream.linear.scatter [tilespmem:s26], [sflag:$0x2], $0xA000, $0x38;
	[tilespmem:$0x14500] =	vst v63  }
0x71: {  	_ = 	snop  }
.LBB2_9:
0x72: {  	_ =	sfence.sel $0x180000  }
0x73: {  	[bflag:$0x0] =	sbarrier.arrive $0xFFFF  }
0x74: {  	_ =	strace $0x90000047  }
0x75: {  	s0 =	stileid.u32;
	[bflag:$0x2] =	sbarrier.arrive $0xFFFF  }
0x76: {  	p0 =	sne.s32 s0, $0x0;
	s0 =	rddreg [dreg:$0x2]  }
0x77: {  	s0 =	sadd.s32 @!p0 $0x100000, s0  }
0x78: {  	[sflag:s0] =	ssyncadd.tile.s32 @!p0 $0x1;
	_ =	shalt  }
.Lfunc_end2:
_tile_overlayer_lowered:
.L_overlay_start_2:
0x79: {  	(tag) =	ssettag $0x2  }
0x7a: {  	s0 =	rddreg [dreg:$0x0];
	s2 =	stileid.u32  }
0x7b: {  	s1 =	rddreg [dreg:$0x1];
	p0 =	sne.s32 s2, $0x0  }
0x7c: {  	s3 =	rddreg [dreg:$0x2];
	[bflag:$0x3] =	sbarrier.arrive $0xFFFF;
	s2 =	simm.s32 @!p0 $0x1C03  }
0x7d: {  	[timem:s3], [sflag:s2] =	dma.local @!p0 [hbm:s0], s1  }
0x7e: {  	s0 =	simm.s32 @!p0 $0x3  }
0x7f: {  	_ =	swait.ge @!p0 [sflag:s0], s1  }
0x80: {  	s1 =	ssub.s32 @!p0 $0x0, s1;
	[sflag:s0] =	ssyncset.done @!p0 $0x0  }
0x81: {  	[sflag:s0] =	ssyncadd.s32 @!p0 s1  }
0x82: {  	[bflag:$0x3] =	sbarrier.arrive $0xFFFF  }
0x83: {  	_ =	shalt  }

// kernel: sparse-core-data-format-call.cloned.1.call-start
scs
called_computation_lowered:
.L_overlay_start_0:
0x0: {  	s2 =	sld [smem:$0x3FD9]  }
0x1: {  	s3 =	sld [smem:$0x3FFE];
	_ =	sdelay $0x1  }
0x2: {  	s1 =	srdreg.scid  }
0x3: {  	s0 =	sand.u32 $0x1, s1  }
0x4: {  	s18 =	sshll.u32 s0, $0xA;
	s2 =	sadd.s32 s3, s2  }
0x5: {  	s2 =	sadd.s32 s2, s18  }
0x6: {  	[smem:$0x3FC4] =	sst s2  }
0x7: {  	_ = 	snop  }
0x8: {  	s2 =	sld [smem:$0x3FD0];
	(tm) =	ssettm $0x1  }
0x9: {  	s19 =	sld [smem:$0x3FFB];
	_ =	sdelay $0x3  }
0xa: {  	_ =	strace s19  }
0xb: {  	s3 =	sld [smem:$0x3FFC];
	_ =	sdelay $0x3  }
0xc: {  	_ =	strace s3  }
0xd: {  	s3 =	sld [smem:$0x3FFD];
	_ =	sdelay $0x3  }
0xe: {  	_ =	strace s3  }
0xf: {  	_ =	strace $0x8FFFFFFF  }
0x10: {  	s20 =	sld [smem:$0x3FDB];
	_ =	sdelay $0x1  }
0x11: {  	s4 =	simm.s32 $_scs_section_size  }
0x12: {  	s5 =	simm.s32 $_size__tile_overlayer_lowered;
	s6 =	simm.s32 $_tile_overlayer_lowered  }
0x13: {  	s23 =	simm.s32 $0x1BFF;
	s22 =	sshll.u32 s6, $0x1;
	s3 =	sadd.s32 s4, s20  }
0x14: {  	s7 =	simm.s32 $0x0;
	s21 =	sshll.u32 s5, $0x1;
	s5 =	sadd.s32 s22, s3  }
0x15: {  	[timem:s7], [sflag:s23] =	dma.local [hbm:s5], s21  }
0x16: {  	_ =	swait.ge [sflag:s23], s21  }
0x17: {  	s4 =	ssub.s32 $0x0, s21;
	[sflag:s23] =	ssyncset.done $0x0  }
0x18: {  	[sflag:s23] =	ssyncadd.s32 s4;
	_ =	sdelay $0x1  }
0x19: {  	s24 =	simm.s32 $0x1B8B  }
0x1a: {  	_ =	swait.ge [sflag:s24], $0x1  }
0x1b: {  	[sflag:s24] =	ssyncset.done $0x0  }
0x1c: {  	s26 =	simm.s32 $0x1B8E;
	s25 =	sld [smem:$0x3FFE];
	[sflag:s24] =	ssyncadd.s32 $0xFFFFFFFF  }
0x1d: {  	s27 =	simm.s32 $execute0_lowered;
	[smem:$0x3FD2] =	sst s26  }
0x1e: {  	s5 =	sshll.u32 s27, $0x1;
	_ =	strace $0x80000049;
	[dreg:$0x1] =	wrdreg $0xFFFFFFFF  }
0x1f: {  	s28 =	simm.s32 $_size_execute0_lowered;
	s3 =	sadd.s32 s3, s5;
	[dreg:$0x0] =	wrdreg $0x0  }
0x20: {  	s5 =	sshll.u32 s28, $0x1;
	[dreg:$0x2] =	wrdreg s3  }
0x21: {  	[dreg:$0x3] =	wrdreg s5  }
0x22: {  	[dreg:$0x4] =	wrdreg $0xC0  }
0x23: {  	_ =	task [dreg:s7], $0x5FFFF  }
0x24: {  	[dreg:$0x1] =	wrdreg $0xFFFFFFFF  }
0x25: {  	[dreg:$0x0] =	wrdreg $0x60  }
0x26: {  	[dreg:$0x2] =	wrdreg s25  }
0x27: {  	[dreg:$0x3] =	wrdreg s2  }
0x28: {  	[dreg:$0x4] =	wrdreg $0x9  }
0x29: {  	_ =	task.clear_ibuf [dreg:s7], $0x5FFFF;
	_ =	strace $0x90000049  }
0x2a: {  	s29 =	simm.s32 $0x9;
	_ =	strace $0x8000004B  }
0x2b: {  	_ =	swait.ge [sflag:s29], $0x1  }
0x2c: {  	[sflag:s29] =	ssyncadd.s32 $0xFFFFFFFF  }
0x2d: {  	_ =	strace $0x9000004B  }
0x2e: {  	_ =	sfence  }
0x2f: {  	s30 =	sld [smem:$0x0];
	_ =	sdelay $0x2  }
0x30: {  	s31 =	sshll.u32 s1, $0xD;
	s1 =	sshrl.u32 s1, $0x2  }
0x31: {  	s3 =	sand.u32 $0x4000, s31;
	s1 =	sadd.s32 s1, s30  }
0x32: {  	s0 =	sor.u32 s3, s0;
	s1 =	sshll.u32 s1, $0x11  }
0x33: {  	s0 =	sor.u32 s1, s0  }
0x34: {  	s0 =	sadd.s32 $0x8F2B, s0  }
0x35: {  	[sflag:s0] =	ssyncadd.remote.s32 $0x1  }
0x36: {  	_ =	sfence.sel $0xFFFF  }
0x37: {  	[dreg:$0x0] =	wrdreg $0xFFFFFFFF;
	(pc) =	sbr.abs _section_cstart, $3  }
0x38: {  	[dreg:$0x1] =	wrdreg $0xFFFFFFFF  }
0x39: {  	_ =	task.clear_ibuf [dreg:s7], $0x2FFFF;
	_ =	strace $0x9FFFFFFF  }
0x3a: {  	(tm) =	ssettm $0x7FFFFFFF  }
0x3b: {  	_ =	shalt  }
tec
execute0_lowered:
.L_overlay_start_1:
0x0: {  	(tag) =	ssettag $0x1  }
0x1: {  	s0 =	stileid.u32  }
0x2: {  	s1 =	srdreg.scid;
	s7 =	rddreg [dreg:$0x0]  }
0x3: {  	s2 =	rddreg [dreg:$0x1];
	s31 =	simm.s32 $0x2;
	s13 =	simm.s32 $0x0  }
0x4: {  	p0 =	por $0x0, $0x0;
	s3 =	sshll.u32 s0, $0x6;
	s1 =	sshll.u32 s1, $0xA  }
0x5: {  	s14 =	simm.s32 $0x0;
	s4 =	sor.u32 s3, s1;
	s3 =	sand.u32 $0x1, s0  }
0x6: {  	s12 =	simm.s32 $0x0;
	s4 =	sand.u32 $0x780, s4;
	s5 =	ssub.s32 $0x2, s3  }
0x7: {  	s7 =	sadd.s32 $0xE00, s7;
	s6 =	ssub.s32 $0x30D00, s4;
	s8 =	sshrl.u32 s5, $0x1  }
.Ltmp0:
0x8: {  	s9 =	sand.u32 $0x1, s5;
	s6 =	sshrl.u32 s6, $0xB;
	(pc) =	sbr.rel .LBB1_1-.Ltmp0, $4  }
0x9: {  	s1 =	rddreg [dreg:$0x2];
	s8 =	sadd.s32 s9, s8;
	s6 =	sadd.s32 $0x1, s6  }
0xa: {  	_ =	strace $0x8000004A;
	s5 =	simm.s32 $0x1;
	s6 =	smul.u32 s8, s6  }
0xb: {  	s11 =	smov.u32 s3;
	s10 =	smov.u32 s4;
	[sflag:s5] =	ssyncpa.u1 $0x0  }
0xc: {  	s9 =	simm.s32 $0x186C00;
	[sflag:s31] =	ssyncpa.u1 $0x0;
	s8 =	sadd.s32 $0x1, s6  }
.LBB1_4:
0xd: {  	s17 =	sshll.u32 s13, $0x3  }
0xe: {  	s17 =	sand.u32 $0xFFFFFC00, s17  }
0xf: {  	s18 =	sshrl.u32 s17, $0x7  }
0x10: {  	s18 =	smulhi.u32 $0xA7B7EF, s18;
	_ =	sdelay $0x1  }
0x11: {  	s18 =	sshrl.u32 s18, $0x2  }
0x12: {  	s27 =	sand.u32 $0x7F, s13;
	s19 =	smul.u32 $0x30D80, s18  }
0x13: {  	s14 =	smul.u32 $0x186C00, s14;
	s13 =	sor.u32 s27, s17;
	s28 =	sand.u32 $0x3F, s18  }
0x14: {  	s17 =	smul.u32 $0x61B0, s28;
	s13 =	ssub.s32 s13, s19  }
0x15: {  	[tilespmem:s16+$0x810 ss:$0x81] =	vst.msk $0xffff, v2;
	s14 =	sadd.s32 s2, s14;
	s29 =	sand.u32 $0x7, s13  }
0x16: {  	[tilespmem:s16+$0x1020 ss:$0x81] =	vst.msk $0xffff, v0;
	s14 =	sadd.s32 s17, s14;
	s13 =	sshrl.u32 s13, $0x3;
	s30 =	sshll.u32 s29, $0x12  }
0x17: {  	[tilespmem:s16+$0x0 ss:$0x81] =	vst.msk $0xffff, v1;
	s13 =	sadd.s32 s13, s14;
	s31 =	sor.u32 $0x400, s30  }
0x18: {  	[hbm4b:s13+s31] =	stream.strided.scatter [tilespmem:s15], [sflag:$0x2], $0x2000, s9, s31, $0x20;
	[tilespmem:$0x8080] =	vst v63  }
.LBB1_5:
0x19: {  	s15 =	sadd.s32 $0x800, s10  }
0x1a: {  	s13 =	sadd.s32 $0x2, s11;
	s17 =	smov.u32 s11;
	p2 =	sgt.s32 s15, $0x30D3F  }
0x1b: {  	s17 =	smov.u32 @p2 s13  }
0x1c: {  	s15 =	smov.u32 @p2 s4;
	p2 =	sgt.s32 s17, $0x1  }
0x1d: {  	s17 =	smov.u32 @p2 s3;
	p2 =	sne.s32 s12, s8  }
.Ltmp1:
0x1e: {  	p1 =	slt.u32 s12, $0x2;
	(pc) =	sbr.rel @!p2 .LBB1_6-.Ltmp1, $4  }
0x1f: {  	s16 =	simm.s32 @!p1 $0x2  }
0x20: {  	s14 =	smov.u32 s11;
	p0 =	por !p0, !p0;
	_ =	swait.ge @!p1 [sflag:s16], $0x2000  }
0x21: {  	s13 =	smov.u32 s10;
	[sflag:s16] =	ssyncset.done @!p1 $0x0;
	s10 =	smov.u32 s15  }
0x22: {  	s12 =	sadd.s32 $0x1, s12;
	[sflag:s16] =	ssyncadd.s32 @!p1 $0xFFFFE000;
	s11 =	smov.u32 s17  }
.LBB1_1:
0x23: {  	p1 =	sge.u32 s12, s6  }
0x24: {  	s17 =	smov.u32 s11;
	p2 =	sgt.s32 @!p1 s11, $0x1  }
0x25: {  	s19 =	smov.u32 s10;
	s15 =	sand.u32 @!p1 $0x1FFFFFF, s10;
	p2 =	por !p2, p1  }
0x26: {  	s18 =	sshra.s32 @!p1 s11, $0x1F;
	s17 =	simm.s32 @p2 $0x1;
	p2 =	sgt.s32 @!p1 s10, $0x30CC0  }
0x27: {  	s20 =	sshra.s32 @!p1 s10, $0x1F;
	s18 =	sand.u32 @!p1 s18, s11;
	p2 =	por !p2, p1  }
0x28: {  	s20 =	sand.u32 @!p1 s20, s10;
	s18 =	sxor.u32 @!p1 $0xFFFFFFFF, s18;
	s19 =	simm.s32 @p2 $0x30CC0  }
0x29: {  	s16 =	smulhi.u32 @!p1 $0x14F8B59, s15;
	s17 =	sadd.s32 @!p1 s18, s17;
	s18 =	ssub.s32 @!p1 s19, s20  }
0x2a: {  	p2 =	sgt.s32 @!p1 s17, $0x0;
	s17 =	sshll.u32 @!p1 s17, $0x6;
	s19 =	sadd.s32 @!p1 $0xFFFCF340, s18  }
0x2b: {  	s16 =	sshrl.u32 @!p1 s16, $0xA;
	s17 =	ssub.s32 @!p1 $0x40, s17;
	p3 =	sgt.s32 @!p1 s19, $0x7F  }
0x2c: {  	p2 =	por !p2, p1;
	s18 =	ssub.s32 @!p1 $0x30D40, s18;
	p3 =	por !p3, p1  }
0x2d: {  	s16 =	smul.u32 @!p1 $0x30D40, s16;
	s17 =	simm.s32 @!p2 $0x0;
	s18 =	simm.s32 @!p3 $0x0  }
0x2e: {  	s19 =	sxor.u32 @!p1 $0xFFFFFFFF, s12;
	s17 =	smul.u32 @!p1 s18, s17  }
0x2f: {  	s15 =	ssub.s32 @!p1 s15, s16;
	s18 =	sshll.u32 @!p1 s19, $0xD;
	s19 =	smul.u32 @!p1 $0x30D400, s11  }
0x30: {  	s31 =	sadd.s32 $0xFFFFFFFF, s12;
	s15 =	sshll.u32 @!p1 s15, $0x4  }
0x31: {  	s18 =	sand.u32 @!p1 $0x2000, s18;
	s16 =	sand.u32 @!p1 $0x3FFFFFC0, s17;
	s17 =	sadd.s32 @!p1 s7, s19  }
0x32: {  	s19 =	simm.s32 @!p1 $0x80;
	s15 =	sadd.s32 @!p1 s15, s17;
	s17 =	simm.s32 @!p1 $0x40  }
0x33: {  	[tilespmem:s18], [sflag:$0x1] =	stream.strided.gather @!p1 [hbm4b:s15+s17], s16, s19, s17, $0x38;
	[tilespmem:$0x8080] =	vst v63  }
0x34: {  	p1 =	sge.u32 s31, s6  }
.Ltmp2:
0x35: {  	_ = 	snop;
	(pc) =	sbr.rel @p1 .LBB1_5-.Ltmp2, $1  }
0x36: {  	_ =	sdelay $0x3  }
0x37: {  	p1 =	sgt.s32 s14, $0x1;
	s15 =	smov.u32 s14  }
0x38: {  	s16 =	sshra.s32 s14, $0x1F;
	s17 =	smov.u32 s13;
	s18 =	sshra.s32 s13, $0x1F  }
0x39: {  	s15 =	simm.s32 @!p1 $0x1;
	s16 =	sand.u32 s16, s14;
	p1 =	sgt.s32 s13, $0x30CC0  }
0x3a: {  	s18 =	sand.u32 s18, s13;
	s16 =	sxor.u32 $0xFFFFFFFF, s16;
	s17 =	simm.s32 @!p1 $0x30CC0  }
0x3b: {  	s15 =	sadd.s32 s16, s15;
	s27 =	ssub.s32 s17, s18  }
0x3c: {  	p1 =	sgt.s32 s15, $0x0;
	s17 =	sadd.s32 $0xFFFCF340, s27;
	s15 =	sshll.u32 s15, $0x6  }
0x3d: {  	s16 =	ssub.s32 $0x30D40, s27;
	p2 =	sgt.s32 s17, $0x7F;
	s15 =	ssub.s32 $0x40, s15  }
0x3e: {  	s16 =	simm.s32 @p2 $0x0;
	s15 =	simm.s32 @p1 $0x0  }
0x3f: {  	s15 =	smul.u32 s16, s15;
	_ =	sdelay $0x1  }
0x40: {  	s16 =	simm.s32 $0x1;
	s15 =	sand.u32 $0x3FFFFFC0, s15  }
0x41: {  	s16 =	simm.s32 @!p0 $0x0;
	_ =	swait.ge [sflag:s5], s15  }
0x42: {  	s28 =	sshll.u32 s16, $0xD;
	s15 =	ssub.s32 $0x0, s15;
	[sflag:s5] =	ssyncset.done $0x0  }
0x43: {  	s19 =	sor.u32 $0x20, s28;
	[sflag:s5] =	ssyncadd.s32 s15  }
0x44: {  	s29 =	smul.u32 $0x8100, s16;
	v3 =	vld [tilespmem:s19+$0x10]  }
0x45: {  	s30 =	sand.u32 $0x1, s12;
	v2 =	vld [tilespmem:s19+$0xFFFFFFF0]  }
0x46: {  	s16 =	smul.u32 $0x8100, s30;
	s15 =	sshrl.u32 s29, $0x2;
	v0 =	vld [tilespmem:s19+$0x0]  }
0x47: {  	s17 =	sor.u32 $0x4000, s15;
	v1 =	vld [tilespmem:s19+$0xFFFFFFE0]  }
0x48: {  	s31 =	sshrl.u32 s16, $0x2;
	s16 =	sadd.s32 $0x0, s17  }
0x49: {  	s18 =	simm.s32 $0x4;
	s15 =	sor.u32 $0x4000, s31;
	s19 =	sadd.s32 $0x40, s19;
	[tilespmem:s16+$0x1830 ss:$0x81] =	vst.msk $0xffff, v3  }
.LBB1_3:
0x4a: {  	v3 =	vld [tilespmem:s19+$0x10];
	p1 =	sne.s32 s18, $0x1FC;
	[tilespmem:s16+$0x810 ss:$0x81] =	vst.msk $0xffff, v2;
	s20 =	smov.u32 s18;
	s18 =	sadd.s32 $0x4, s18  }
.Ltmp3:
0x4b: {  	v2 =	vld [tilespmem:s19+$0xFFFFFFF0];
	[tilespmem:s16+$0x1020 ss:$0x81] =	vst.msk $0xffff, v0;
	(pc) =	sbr.rel @p1 .LBB1_3-.Ltmp3, $4  }
0x4c: {  	v0 =	vld [tilespmem:s19+$0x0];
	[tilespmem:s16+$0x0 ss:$0x81] =	vst.msk $0xffff, v1  }
0x4d: {  	s16 =	sshra.s32 s20, $0x2;
	v1 =	vld [tilespmem:s19+$0xFFFFFFE0]  }
0x4e: {  	s16 =	sadd.s32 s16, s17  }
0x4f: {  	s19 =	sadd.s32 $0x40, s19;
	[tilespmem:s16+$0x1830 ss:$0x81] =	vst.msk $0xffff, v3  }
.Ltmp4:
0x50: {  	_ = 	snop;
	(pc) =	sbr.rel .LBB1_4-.Ltmp4, $1  }
0x51: {  	_ =	sdelay $0x3  }
.LBB1_6:
0x52: {  	_ =	sfence.sel $0x180000  }
0x53: {  	s2 =	simm.s32 $0x1;
	[bflag:$0x0] =	sbarrier.arrive $0xFFFF  }
0x54: {  	s31 =	simm.s32 $0x2;
	[sflag:s2] =	ssyncpa.u1 $0x1  }
0x55: {  	[sflag:s31] =	ssyncpa.u1 $0x1  }
0x56: {  	p0 =	sne.s32 s0, $0x0;
	_ =	strace $0x9000004A  }
0x57: {  	s0 =	sadd.s32 @!p0 $0x100000, s1;
	[bflag:$0x2] =	sbarrier.arrive $0xFFFF  }
0x58: {  	[sflag:s0] =	ssyncadd.tile.s32 @!p0 $0x1;
	_ =	shalt  }
.Lfunc_end1:
_tile_overlayer_lowered:
.L_overlay_start_2:
0x59: {  	(tag) =	ssettag $0x2  }
0x5a: {  	s0 =	rddreg [dreg:$0x0];
	s2 =	stileid.u32  }
0x5b: {  	s1 =	rddreg [dreg:$0x1];
	p0 =	sne.s32 s2, $0x0  }
0x5c: {  	s3 =	rddreg [dreg:$0x2];
	[bflag:$0x3] =	sbarrier.arrive $0xFFFF;
	s2 =	simm.s32 @!p0 $0x1C01  }
0x5d: {  	[timem:s3], [sflag:s2] =	dma.local @!p0 [hbm:s0], s1  }
0x5e: {  	s0 =	simm.s32 @!p0 $0x1  }
0x5f: {  	_ =	swait.ge @!p0 [sflag:s0], s1  }
0x60: {  	s1 =	ssub.s32 @!p0 $0x0, s1;
	[sflag:s0] =	ssyncset.done @!p0 $0x0  }
0x61: {  	[sflag:s0] =	ssyncadd.s32 @!p0 s1  }
0x62: {  	[bflag:$0x3] =	sbarrier.arrive $0xFFFF  }
0x63: {  	_ =	shalt  }

</sc_bundles>
